<compile_context>
chip_gen: v7x
topology: tpu7x:2x2x1
jax: 0.10.2.dev20260603
libtpu: 0.0.44.dev20260713+nightly
codegen_flags: <defaults>
</compile_context>

<pallas_src>
import functools

import jax
import jax.numpy as jnp
from jax import lax
from jax.experimental import pallas as pl
from jax.experimental.pallas import tpu as pltpu
from jax.experimental.pallas import tpu_sc as plsc

EMBED = 64
NUM_ROWS = 5
PACK = 4
QROWS = NUM_ROWS ** PACK
QEMBED = EMBED * PACK


@functools.partial(jax.jit, static_argnames=("chunk_q",))
def _sc_embed(qtable, idx_flat, chunk_q):
    info = plsc.get_sparse_core_info()
    nc, ns = info.num_cores, info.num_subcores
    nw = nc * ns
    b = idx_flat.shape[0]
    bq = b // PACK
    chunk = chunk_q * PACK
    assert bq % (nw * chunk_q * 2) == 0
    b_per_w = b // nw
    bq_per_w = bq // nw
    n_chunks = bq_per_w // chunk_q
    n_pairs = n_chunks // 2

    mesh = plsc.VectorSubcoreMesh(core_axis_name="c", subcore_axis_name="s")

    @functools.partial(
        pl.kernel,
        mesh=mesh,
        compiler_params=pltpu.CompilerParams(
            use_tc_tiling_on_sc=False, needs_layout_passes=False),
        out_type=jax.ShapeDtypeStruct((bq, QEMBED), jnp.float32),
        scratch_types=[
            pltpu.VMEM((2, chunk), jnp.int32),
            pltpu.VMEM((2, chunk_q), jnp.int32),
            pltpu.VMEM((2, chunk_q, QEMBED), jnp.float32),
            pltpu.VMEM_SHARED((QROWS, QEMBED), jnp.float32),
            pltpu.SemaphoreType.DMA,
            pltpu.SemaphoreType.DMA,
            pltpu.SemaphoreType.DMA,
            pltpu.SemaphoreType.DMA,
            pltpu.SemaphoreType.DMA,
            pltpu.SemaphoreType.DMA,
        ],
    )
    def body(qtable_hbm, idx_hbm, out_hbm, idx_raw, idx_q, rows_v, qtable_sh,
             si0, si1, sg0, sg1, so0, so1):
        sem_idx = (si0, si1)
        sem_g = (sg0, sg1)
        sem_out = (so0, so1)
        wid = lax.axis_index("s") * nc + lax.axis_index("c")
        base = wid * b_per_w
        qbase = wid * bq_per_w

        @pl.when(lax.axis_index("s") == 0)
        def _():
            pltpu.sync_copy(qtable_hbm, qtable_sh)

        plsc.subcore_barrier()

        iota4 = lax.iota(jnp.int32, 16) * PACK

        for slot in range(2):
            pltpu.async_copy(
                idx_hbm.at[pl.ds(base + slot * chunk, chunk)],
                idx_raw.at[slot], sem_idx[slot])

        def pair_body(g, carry):
            for slot in range(2):
                i = 2 * g + slot
                off = base + i * chunk
                qoff = qbase + i * chunk_q

                @pl.when(g > 0)
                def _():
                    pltpu.make_async_copy(
                        rows_v.at[slot],
                        out_hbm.at[pl.ds(qoff - 2 * chunk_q, chunk_q)],
                        sem_out[slot]).wait()

                pltpu.make_async_copy(
                    idx_hbm.at[pl.ds(off, chunk)],
                    idx_raw.at[slot], sem_idx[slot]).wait()

                for j in range(chunk_q // 16):
                    g0 = plsc.load_gather(idx_raw.at[slot], [iota4 + j * 64])
                    g1 = plsc.load_gather(idx_raw.at[slot], [iota4 + (j * 64 + 1)])
                    g2 = plsc.load_gather(idx_raw.at[slot], [iota4 + (j * 64 + 2)])
                    g3 = plsc.load_gather(idx_raw.at[slot], [iota4 + (j * 64 + 3)])
                    code = ((g0 * NUM_ROWS + g1) * NUM_ROWS + g2) * NUM_ROWS + g3
                    idx_q[slot, pl.ds(j * 16, 16)] = code

                pltpu.async_copy(
                    qtable_sh.at[idx_q.at[slot]],
                    rows_v.at[slot], sem_g[slot]).wait()

                pltpu.async_copy(
                    rows_v.at[slot],
                    out_hbm.at[pl.ds(qoff, chunk_q)], sem_out[slot])

                @pl.when(i + 2 < n_chunks)
                def _():
                    pltpu.async_copy(
                        idx_hbm.at[pl.ds(off + 2 * chunk, chunk)],
                        idx_raw.at[slot], sem_idx[slot])
            return carry

        lax.fori_loop(0, n_pairs, pair_body, 0)

        for slot in range(2):
            i = 2 * (n_pairs - 1) + slot
            pltpu.make_async_copy(
                rows_v.at[slot],
                out_hbm.at[pl.ds(qbase + i * chunk_q, chunk_q)],
                sem_out[slot]).wait()

    return body(qtable, idx_flat)


def kernel(city, table):
    b0, b1 = city.shape
    idx_flat = city.reshape(b0 * b1)
    t = table
    s5 = (NUM_ROWS,) * PACK + (EMBED,)
    qtable = jnp.concatenate([
        jnp.broadcast_to(t[:, None, None, None, :], s5),
        jnp.broadcast_to(t[None, :, None, None, :], s5),
        jnp.broadcast_to(t[None, None, :, None, :], s5),
        jnp.broadcast_to(t[None, None, None, :, :], s5),
    ], axis=-1).reshape(QROWS, QEMBED)
    out = _sc_embed(qtable, idx_flat, 128)
    return out.reshape(b0, b1, EMBED)

# --- scband reference (transcript-rebuilt; emitter-appended) ---
"""Pipeline reference for scband-city-embedding-19920058319190 (READ-ONLY COPY).

The authoritative reference and input builder live on the scoring server;
editing this copy changes nothing except your own understanding.
"""

import jax, jax.numpy as jnp
import numpy as np

EMBED_SIZE = 64
NUM_EMB = 5

def setup_inputs(seed: int = 0) -> dict:
    key = jax.random.key(seed)
    k1, k2 = jax.random.split(key)
    city = jax.random.randint(k1, (16384, 200), 0, NUM_EMB, dtype=jnp.int64 if jax.config.jax_enable_x64 else jnp.int32).astype(jnp.int32)
    # embedding table initialized like nn.Embedding (N(0,1))
    table = jax.random.normal(k2, (NUM_EMB, EMBED_SIZE), dtype=jnp.float32)
    return {"city": city, "table": table}

def reference(city, table):
    # nn.Embedding lookup: gather rows of the table by index
    embed = jnp.take(table, city, axis=0)
    return embed

if __name__ == "__main__":
    import jax
    _d = setup_inputs()
    print(jax.jit(kernel)(*tuple(_d.values())))

</pallas_src>

<mosaic_0001>
#map = affine_map<(d0, d1) -> (0, 0)>
#map1 = affine_map<(d0, d1) -> (0)>
module attributes {stable_mosaic.version = 14 : i64} {
  func.func @body(%arg0: i32, %arg1: i32, %arg2: memref<625x256xf32, #tpu.memory_space<hbm>>, %arg3: memref<3276800xi32, #tpu.memory_space<hbm>>, %arg4: memref<819200x256xf32, #tpu.memory_space<hbm>>, %arg5: memref<2x512xi32, #tpu.memory_space<vmem>>, %arg6: memref<2x128xi32, #tpu.memory_space<vmem>>, %arg7: memref<2x128x256xf32, #tpu.memory_space<vmem>>, %arg8: memref<625x256xf32, #tpu.memory_space<vmem_shared>>, %arg9: memref<!tpu.dma_semaphore, #tpu.memory_space<semaphore_mem>>, %arg10: memref<!tpu.dma_semaphore, #tpu.memory_space<semaphore_mem>>, %arg11: memref<!tpu.dma_semaphore, #tpu.memory_space<semaphore_mem>>, %arg12: memref<!tpu.dma_semaphore, #tpu.memory_space<semaphore_mem>>, %arg13: memref<!tpu.dma_semaphore, #tpu.memory_space<semaphore_mem>>, %arg14: memref<!tpu.dma_semaphore, #tpu.memory_space<semaphore_mem>>) attributes {dimension_semantics = [#tpu.dimension_semantics<core_parallel>, #tpu.dimension_semantics<subcore_parallel>], iteration_bounds = array<i64: 2, 16>, scalar_prefetch = 0 : i64, scratch_operands = 10 : i64, tpu.core_type = #tpu.core_type<sc_vector_subcore>, window_params = [{transform_indices = #map}, {transform_indices = #map1}, {transform_indices = #map}]} {
    %mul3A = arith.constant 2 : i32
    %mul3A_0 = arith.muli %arg1, %mul3A : i32
    %add3A = arith.addi %mul3A_0, %arg0 : i32
    %mul3A_1 = arith.constant 102400 : i32
    %mul3A_2 = arith.muli %add3A, %mul3A_1 : i32
    %mul3A_3 = arith.constant 25600 : i32
    %mul3A_4 = arith.muli %add3A, %mul3A_3 : i32
    %eq3A = arith.constant 0 : i32
    %eq3A_5 = arith.cmpi eq, %arg1, %eq3A : i32
    %convert_element_type3A = arith.extui %eq3A_5 : i1 to i32
    %cond3A = arith.constant 0 : i32
    %cond3A_6 = arith.cmpi ne, %convert_element_type3A, %cond3A : i32
    scf.if %cond3A_6 {
      "tpu.region"() ({
        %run_scoped3A = tpu.sem_alloc : memref<!tpu.dma_semaphore, #tpu.memory_space<semaphore_mem>>
        tpu.enqueue_dma source(%arg2 : memref<625x256xf32, #tpu.memory_space<hbm>>) target(%arg8 : memref<625x256xf32, #tpu.memory_space<vmem_shared>>) target_semaphore(%run_scoped3A : memref<!tpu.dma_semaphore, #tpu.memory_space<semaphore_mem>>)
        tpu.wait_dma2 semaphore(%run_scoped3A : memref<!tpu.dma_semaphore, #tpu.memory_space<semaphore_mem>>) src(%arg2 : memref<625x256xf32, #tpu.memory_space<hbm>>) dst(%arg8 : memref<625x256xf32, #tpu.memory_space<vmem_shared>>)
        tpu.yield
      }) : () -> ()
    } else {
    }
    %barrier3A = arith.constant 0 : index
    tpu.barrier barrier_id(%barrier3A)
    %iota3A = tpu.iota {dimensions = array<i32: 0>} : vector<16xi32>
    %mul3A_7 = arith.constant 4 : i32
    %mul3A_8 = vector.broadcast %mul3A_7 : i32 to vector<16xi32>
    %mul3A_9 = arith.muli %iota3A, %mul3A_8 : vector<16xi32>
    %add3A_10 = arith.constant 0 : i32
    %add3A_11 = arith.addi %mul3A_2, %add3A_10 : i32
    %dma_start3A = arith.constant 0 : i32
    %dma_start3A_12 = arith.constant 0 : i32
    %dma_start3A_13 = tpu.memref_slice %arg5[%dma_start3A, %dma_start3A_12] : memref<2x512xi32, #tpu.memory_space<vmem>> -> memref<1x512xi32, #tpu.memory_space<vmem>>
    %dma_start3A_14 = tpu.memref_squeeze %dma_start3A_13 : memref<1x512xi32, #tpu.memory_space<vmem>> -> memref<512xi32, #tpu.memory_space<vmem>>
    %dma_start3A_15 = tpu.memref_slice %arg3[%add3A_11] : memref<3276800xi32, #tpu.memory_space<hbm>> -> memref<512xi32, #tpu.memory_space<hbm>>
    %dma_start3A_16 = arith.constant 0 : i32
    %dma_start3A_17 = tpu.memref_slice %arg5[%dma_start3A, %dma_start3A_16] : memref<2x512xi32, #tpu.memory_space<vmem>> -> memref<1x512xi32, #tpu.memory_space<vmem>>
    %dma_start3A_18 = tpu.memref_squeeze %dma_start3A_17 : memref<1x512xi32, #tpu.memory_space<vmem>> -> memref<512xi32, #tpu.memory_space<vmem>>
    %dma_start3A_19 = tpu.memref_slice %arg3[%add3A_11] : memref<3276800xi32, #tpu.memory_space<hbm>> -> memref<512xi32, #tpu.memory_space<hbm>>
    tpu.enqueue_dma source(%dma_start3A_19 : memref<512xi32, #tpu.memory_space<hbm>>) target(%dma_start3A_18 : memref<512xi32, #tpu.memory_space<vmem>>) target_semaphore(%arg9 : memref<!tpu.dma_semaphore, #tpu.memory_space<semaphore_mem>>)
    %add3A_20 = arith.constant 512 : i32
    %add3A_21 = arith.addi %mul3A_2, %add3A_20 : i32
    %dma_start3A_22 = arith.constant 1 : i32
    %dma_start3A_23 = arith.constant 0 : i32
    %dma_start3A_24 = tpu.memref_slice %arg5[%dma_start3A_22, %dma_start3A_23] : memref<2x512xi32, #tpu.memory_space<vmem>> -> memref<1x512xi32, #tpu.memory_space<vmem>>
    %dma_start3A_25 = tpu.memref_squeeze %dma_start3A_24 : memref<1x512xi32, #tpu.memory_space<vmem>> -> memref<512xi32, #tpu.memory_space<vmem>>
    %dma_start3A_26 = tpu.memref_slice %arg3[%add3A_21] : memref<3276800xi32, #tpu.memory_space<hbm>> -> memref<512xi32, #tpu.memory_space<hbm>>
    %dma_start3A_27 = arith.constant 0 : i32
    %dma_start3A_28 = tpu.memref_slice %arg5[%dma_start3A_22, %dma_start3A_27] : memref<2x512xi32, #tpu.memory_space<vmem>> -> memref<1x512xi32, #tpu.memory_space<vmem>>
    %dma_start3A_29 = tpu.memref_squeeze %dma_start3A_28 : memref<1x512xi32, #tpu.memory_space<vmem>> -> memref<512xi32, #tpu.memory_space<vmem>>
    %dma_start3A_30 = tpu.memref_slice %arg3[%add3A_21] : memref<3276800xi32, #tpu.memory_space<hbm>> -> memref<512xi32, #tpu.memory_space<hbm>>
    tpu.enqueue_dma source(%dma_start3A_30 : memref<512xi32, #tpu.memory_space<hbm>>) target(%dma_start3A_29 : memref<512xi32, #tpu.memory_space<vmem>>) target_semaphore(%arg10 : memref<!tpu.dma_semaphore, #tpu.memory_space<semaphore_mem>>)
    %scan3A = arith.constant 0 : i32
    %scan3A_31 = arith.constant 0 : i32
    %scan3A_32 = arith.constant 100 : i32
    %scan3A_33 = arith.addi %scan3A_31, %scan3A_32 : i32
    %scan3A_34 = arith.constant 1 : i32
    scf.for %scan3A_65 = %scan3A_31 to %scan3A_33 step %scan3A_34  : i32 {
      %mul3A_66 = arith.constant 2 : i32
      %mul3A_67 = arith.muli %mul3A_66, %scan3A_65 : i32
      %add3A_68 = arith.constant 0 : i32
      %add3A_69 = arith.addi %mul3A_67, %add3A_68 : i32
      %mul3A_70 = arith.constant 512 : i32
      %mul3A_71 = arith.muli %add3A_69, %mul3A_70 : i32
      %add3A_72 = arith.addi %mul3A_2, %mul3A_71 : i32
      %mul3A_73 = arith.constant 128 : i32
      %mul3A_74 = arith.muli %add3A_69, %mul3A_73 : i32
      %add3A_75 = arith.addi %mul3A_4, %mul3A_74 : i32
      %gt3A = arith.constant 0 : i32
      %gt3A_76 = arith.cmpi sgt, %scan3A_65, %gt3A : i32
      %convert_element_type3A_77 = arith.extui %gt3A_76 : i1 to i32
      %cond3A_78 = arith.constant 0 : i32
      %cond3A_79 = arith.cmpi ne, %convert_element_type3A_77, %cond3A_78 : i32
      scf.if %cond3A_79 {
        %sub3A = arith.constant 256 : i32
        %sub3A_966 = arith.subi %add3A_75, %sub3A : i32
        %dma_wait3A_967 = arith.constant 0 : i32
        %dma_wait3A_968 = arith.constant 0 : i32
        %dma_wait3A_969 = arith.constant 0 : i32
        %dma_wait3A_970 = tpu.memref_slice %arg7[%dma_wait3A_967, %dma_wait3A_968, %dma_wait3A_969] : memref<2x128x256xf32, #tpu.memory_space<vmem>> -> memref<1x128x256xf32, #tpu.memory_space<vmem>>
        %dma_wait3A_971 = tpu.memref_squeeze %dma_wait3A_970 : memref<1x128x256xf32, #tpu.memory_space<vmem>> -> memref<128x256xf32, #tpu.memory_space<vmem>>
        %dma_wait3A_972 = arith.constant 0 : i32
        %dma_wait3A_973 = tpu.memref_slice %arg4[%sub3A_966, %dma_wait3A_972] : memref<819200x256xf32, #tpu.memory_space<hbm>> -> memref<128x256xf32, #tpu.memory_space<hbm>>
        %dma_wait3A_974 = arith.constant 0 : i32
        %dma_wait3A_975 = tpu.memref_slice %arg4[%sub3A_966, %dma_wait3A_974] : memref<819200x256xf32, #tpu.memory_space<hbm>> -> memref<128x256xf32, #tpu.memory_space<hbm>>
        %dma_wait3A_976 = arith.constant 0 : i32
        %dma_wait3A_977 = arith.constant 0 : i32
        %dma_wait3A_978 = tpu.memref_slice %arg7[%dma_wait3A_967, %dma_wait3A_976, %dma_wait3A_977] : memref<2x128x256xf32, #tpu.memory_space<vmem>> -> memref<1x128x256xf32, #tpu.memory_space<vmem>>
        %dma_wait3A_979 = tpu.memref_squeeze %dma_wait3A_978 : memref<1x128x256xf32, #tpu.memory_space<vmem>> -> memref<128x256xf32, #tpu.memory_space<vmem>>
        tpu.wait_dma2 semaphore(%arg13 : memref<!tpu.dma_semaphore, #tpu.memory_space<semaphore_mem>>) src(%dma_wait3A_979 : memref<128x256xf32, #tpu.memory_space<vmem>>) dst(%dma_wait3A_975 : memref<128x256xf32, #tpu.memory_space<hbm>>)
      } else {
      }
      %dma_wait3A_80 = arith.constant 0 : i32
      %dma_wait3A_81 = arith.constant 0 : i32
      %dma_wait3A_82 = tpu.memref_slice %arg5[%dma_wait3A_80, %dma_wait3A_81] : memref<2x512xi32, #tpu.memory_space<vmem>> -> memref<1x512xi32, #tpu.memory_space<vmem>>
      %dma_wait3A_83 = tpu.memref_squeeze %dma_wait3A_82 : memref<1x512xi32, #tpu.memory_space<vmem>> -> memref<512xi32, #tpu.memory_space<vmem>>
      %dma_wait3A_84 = tpu.memref_slice %arg3[%add3A_72] : memref<3276800xi32, #tpu.memory_space<hbm>> -> memref<512xi32, #tpu.memory_space<hbm>>
      %dma_wait3A_85 = arith.constant 0 : i32
      %dma_wait3A_86 = tpu.memref_slice %arg5[%dma_wait3A_80, %dma_wait3A_85] : memref<2x512xi32, #tpu.memory_space<vmem>> -> memref<1x512xi32, #tpu.memory_space<vmem>>
      %dma_wait3A_87 = tpu.memref_squeeze %dma_wait3A_86 : memref<1x512xi32, #tpu.memory_space<vmem>> -> memref<512xi32, #tpu.memory_space<vmem>>
      %dma_wait3A_88 = tpu.memref_slice %arg3[%add3A_72] : memref<3276800xi32, #tpu.memory_space<hbm>> -> memref<512xi32, #tpu.memory_space<hbm>>
      tpu.wait_dma2 semaphore(%arg9 : memref<!tpu.dma_semaphore, #tpu.memory_space<semaphore_mem>>) src(%dma_wait3A_88 : memref<512xi32, #tpu.memory_space<hbm>>) dst(%dma_wait3A_87 : memref<512xi32, #tpu.memory_space<vmem>>)
      %add3A_89 = arith.constant 0 : i32
      %add3A_90 = vector.broadcast %add3A_89 : i32 to vector<16xi32>
      %add3A_91 = arith.addi %mul3A_9, %add3A_90 : vector<16xi32>
      %gather3A = arith.constant 0 : i32
      %gather3A_92 = arith.constant 0 : i32
      %gather3A_93 = tpu.memref_slice %arg5[%gather3A, %gather3A_92] : memref<2x512xi32, #tpu.memory_space<vmem>> -> memref<1x512xi32, #tpu.memory_space<vmem>>
      %gather3A_94 = tpu.memref_squeeze %gather3A_93 : memref<1x512xi32, #tpu.memory_space<vmem>> -> memref<512xi32, #tpu.memory_space<vmem>>
      %gather3A_95 = tpu.vector_load_idx %gather3A_94[%add3A_91] : memref<512xi32, #tpu.memory_space<vmem>>[vector<16xi32>], vector<16xi32>,
      %add3A_96 = arith.constant 1 : i32
      %add3A_97 = vector.broadcast %add3A_96 : i32 to vector<16xi32>
      %add3A_98 = arith.addi %mul3A_9, %add3A_97 : vector<16xi32>
      %gather3A_99 = arith.constant 0 : i32
      %gather3A_100 = arith.constant 0 : i32
      %gather3A_101 = tpu.memref_slice %arg5[%gather3A_99, %gather3A_100] : memref<2x512xi32, #tpu.memory_space<vmem>> -> memref<1x512xi32, #tpu.memory_space<vmem>>
      %gather3A_102 = tpu.memref_squeeze %gather3A_101 : memref<1x512xi32, #tpu.memory_space<vmem>> -> memref<512xi32, #tpu.memory_space<vmem>>
      %gather3A_103 = tpu.vector_load_idx %gather3A_102[%add3A_98] : memref<512xi32, #tpu.memory_space<vmem>>[vector<16xi32>], vector<16xi32>,
      %add3A_104 = arith.constant 2 : i32
      %add3A_105 = vector.broadcast %add3A_104 : i32 to vector<16xi32>
      %add3A_106 = arith.addi %mul3A_9, %add3A_105 : vector<16xi32>
      %gather3A_107 = arith.constant 0 : i32
      %gather3A_108 = arith.constant 0 : i32
      %gather3A_109 = tpu.memref_slice %arg5[%gather3A_107, %gather3A_108] : memref<2x512xi32, #tpu.memory_space<vmem>> -> memref<1x512xi32, #tpu.memory_space<vmem>>
      %gather3A_110 = tpu.memref_squeeze %gather3A_109 : memref<1x512xi32, #tpu.memory_space<vmem>> -> memref<512xi32, #tpu.memory_space<vmem>>
      %gather3A_111 = tpu.vector_load_idx %gather3A_110[%add3A_106] : memref<512xi32, #tpu.memory_space<vmem>>[vector<16xi32>], vector<16xi32>,
      %add3A_112 = arith.constant 3 : i32
      %add3A_113 = vector.broadcast %add3A_112 : i32 to vector<16xi32>
      %add3A_114 = arith.addi %mul3A_9, %add3A_113 : vector<16xi32>
      %gather3A_115 = arith.constant 0 : i32
      %gather3A_116 = arith.constant 0 : i32
      %gather3A_117 = tpu.memref_slice %arg5[%gather3A_115, %gather3A_116] : memref<2x512xi32, #tpu.memory_space<vmem>> -> memref<1x512xi32, #tpu.memory_space<vmem>>
      %gather3A_118 = tpu.memref_squeeze %gather3A_117 : memref<1x512xi32, #tpu.memory_space<vmem>> -> memref<512xi32, #tpu.memory_space<vmem>>
      %gather3A_119 = tpu.vector_load_idx %gather3A_118[%add3A_114] : memref<512xi32, #tpu.memory_space<vmem>>[vector<16xi32>], vector<16xi32>,
      %mul3A_120 = arith.constant 5 : i32
      %mul3A_121 = vector.broadcast %mul3A_120 : i32 to vector<16xi32>
      %mul3A_122 = arith.muli %gather3A_95, %mul3A_121 : vector<16xi32>
      %add3A_123 = arith.addi %mul3A_122, %gather3A_103 : vector<16xi32>
      %mul3A_124 = arith.constant 5 : i32
      %mul3A_125 = vector.broadcast %mul3A_124 : i32 to vector<16xi32>
      %mul3A_126 = arith.muli %add3A_123, %mul3A_125 : vector<16xi32>
      %add3A_127 = arith.addi %mul3A_126, %gather3A_111 : vector<16xi32>
      %mul3A_128 = arith.constant 5 : i32
      %mul3A_129 = vector.broadcast %mul3A_128 : i32 to vector<16xi32>
      %mul3A_130 = arith.muli %add3A_127, %mul3A_129 : vector<16xi32>
      %add3A_131 = arith.addi %mul3A_130, %gather3A_119 : vector<16xi32>
      %swap3A = arith.constant 0 : i32
      %swap3A_132 = arith.index_cast %swap3A : i32 to index
      %swap3A_133 = arith.constant 0 : index
      %swap3A_134 = tpu.vector_load %arg6[%swap3A_132, %swap3A_133] {strides = array<i32>} : memref<2x128xi32, #tpu.memory_space<vmem>>, vector<16xi32>,
      tpu.vector_store %arg6[%swap3A_132, %swap3A_133], %add3A_131 {strides = array<i32>} : memref<2x128xi32, #tpu.memory_space<vmem>>, vector<16xi32>,
      %add3A_135 = arith.constant 64 : i32
      %add3A_136 = vector.broadcast %add3A_135 : i32 to vector<16xi32>
      %add3A_137 = arith.addi %mul3A_9, %add3A_136 : vector<16xi32>
      %gather3A_138 = arith.constant 0 : i32
      %gather3A_139 = arith.constant 0 : i32
      %gather3A_140 = tpu.memref_slice %arg5[%gather3A_138, %gather3A_139] : memref<2x512xi32, #tpu.memory_space<vmem>> -> memref<1x512xi32, #tpu.memory_space<vmem>>
      %gather3A_141 = tpu.memref_squeeze %gather3A_140 : memref<1x512xi32, #tpu.memory_space<vmem>> -> memref<512xi32, #tpu.memory_space<vmem>>
      %gather3A_142 = tpu.vector_load_idx %gather3A_141[%add3A_137] : memref<512xi32, #tpu.memory_space<vmem>>[vector<16xi32>], vector<16xi32>,
      %add3A_143 = arith.constant 65 : i32
      %add3A_144 = vector.broadcast %add3A_143 : i32 to vector<16xi32>
      %add3A_145 = arith.addi %mul3A_9, %add3A_144 : vector<16xi32>
      %gather3A_146 = arith.constant 0 : i32
      %gather3A_147 = arith.constant 0 : i32
      %gather3A_148 = tpu.memref_slice %arg5[%gather3A_146, %gather3A_147] : memref<2x512xi32, #tpu.memory_space<vmem>> -> memref<1x512xi32, #tpu.memory_space<vmem>>
      %gather3A_149 = tpu.memref_squeeze %gather3A_148 : memref<1x512xi32, #tpu.memory_space<vmem>> -> memref<512xi32, #tpu.memory_space<vmem>>
      %gather3A_150 = tpu.vector_load_idx %gather3A_149[%add3A_145] : memref<512xi32, #tpu.memory_space<vmem>>[vector<16xi32>], vector<16xi32>,
      %add3A_151 = arith.constant 66 : i32
      %add3A_152 = vector.broadcast %add3A_151 : i32 to vector<16xi32>
      %add3A_153 = arith.addi %mul3A_9, %add3A_152 : vector<16xi32>
      %gather3A_154 = arith.constant 0 : i32
      %gather3A_155 = arith.constant 0 : i32
      %gather3A_156 = tpu.memref_slice %arg5[%gather3A_154, %gather3A_155] : memref<2x512xi32, #tpu.memory_space<vmem>> -> memref<1x512xi32, #tpu.memory_space<vmem>>
      %gather3A_157 = tpu.memref_squeeze %gather3A_156 : memref<1x512xi32, #tpu.memory_space<vmem>> -> memref<512xi32, #tpu.memory_space<vmem>>
      %gather3A_158 = tpu.vector_load_idx %gather3A_157[%add3A_153] : memref<512xi32, #tpu.memory_space<vmem>>[vector<16xi32>], vector<16xi32>,
      %add3A_159 = arith.constant 67 : i32
      %add3A_160 = vector.broadcast %add3A_159 : i32 to vector<16xi32>
      %add3A_161 = arith.addi %mul3A_9, %add3A_160 : vector<16xi32>
      %gather3A_162 = arith.constant 0 : i32
      %gather3A_163 = arith.constant 0 : i32
      %gather3A_164 = tpu.memref_slice %arg5[%gather3A_162, %gather3A_163] : memref<2x512xi32, #tpu.memory_space<vmem>> -> memref<1x512xi32, #tpu.memory_space<vmem>>
      %gather3A_165 = tpu.memref_squeeze %gather3A_164 : memref<1x512xi32, #tpu.memory_space<vmem>> -> memref<512xi32, #tpu.memory_space<vmem>>
      %gather3A_166 = tpu.vector_load_idx %gather3A_165[%add3A_161] : memref<512xi32, #tpu.memory_space<vmem>>[vector<16xi32>], vector<16xi32>,
      %mul3A_167 = arith.constant 5 : i32
      %mul3A_168 = vector.broadcast %mul3A_167 : i32 to vector<16xi32>
      %mul3A_169 = arith.muli %gather3A_142, %mul3A_168 : vector<16xi32>
      %add3A_170 = arith.addi %mul3A_169, %gather3A_150 : vector<16xi32>
      %mul3A_171 = arith.constant 5 : i32
      %mul3A_172 = vector.broadcast %mul3A_171 : i32 to vector<16xi32>
      %mul3A_173 = arith.muli %add3A_170, %mul3A_172 : vector<16xi32>
      %add3A_174 = arith.addi %mul3A_173, %gather3A_158 : vector<16xi32>
      %mul3A_175 = arith.constant 5 : i32
      %mul3A_176 = vector.broadcast %mul3A_175 : i32 to vector<16xi32>
      %mul3A_177 = arith.muli %add3A_174, %mul3A_176 : vector<16xi32>
      %add3A_178 = arith.addi %mul3A_177, %gather3A_166 : vector<16xi32>
      %swap3A_179 = arith.constant 0 : i32
      %swap3A_180 = arith.index_cast %swap3A_179 : i32 to index
      %swap3A_181 = arith.constant 16 : index
      %swap3A_182 = tpu.vector_load %arg6[%swap3A_180, %swap3A_181] {strides = array<i32>} : memref<2x128xi32, #tpu.memory_space<vmem>>, vector<16xi32>,
      tpu.vector_store %arg6[%swap3A_180, %swap3A_181], %add3A_178 {strides = array<i32>} : memref<2x128xi32, #tpu.memory_space<vmem>>, vector<16xi32>,
      %add3A_183 = arith.constant 128 : i32
      %add3A_184 = vector.broadcast %add3A_183 : i32 to vector<16xi32>
      %add3A_185 = arith.addi %mul3A_9, %add3A_184 : vector<16xi32>
      %gather3A_186 = arith.constant 0 : i32
      %gather3A_187 = arith.constant 0 : i32
      %gather3A_188 = tpu.memref_slice %arg5[%gather3A_186, %gather3A_187] : memref<2x512xi32, #tpu.memory_space<vmem>> -> memref<1x512xi32, #tpu.memory_space<vmem>>
      %gather3A_189 = tpu.memref_squeeze %gather3A_188 : memref<1x512xi32, #tpu.memory_space<vmem>> -> memref<512xi32, #tpu.memory_space<vmem>>
      %gather3A_190 = tpu.vector_load_idx %gather3A_189[%add3A_185] : memref<512xi32, #tpu.memory_space<vmem>>[vector<16xi32>], vector<16xi32>,
      %add3A_191 = arith.constant 129 : i32
      %add3A_192 = vector.broadcast %add3A_191 : i32 to vector<16xi32>
      %add3A_193 = arith.addi %mul3A_9, %add3A_192 : vector<16xi32>
      %gather3A_194 = arith.constant 0 : i32
      %gather3A_195 = arith.constant 0 : i32
      %gather3A_196 = tpu.memref_slice %arg5[%gather3A_194, %gather3A_195] : memref<2x512xi32, #tpu.memory_space<vmem>> -> memref<1x512xi32, #tpu.memory_space<vmem>>
      %gather3A_197 = tpu.memref_squeeze %gather3A_196 : memref<1x512xi32, #tpu.memory_space<vmem>> -> memref<512xi32, #tpu.memory_space<vmem>>
      %gather3A_198 = tpu.vector_load_idx %gather3A_197[%add3A_193] : memref<512xi32, #tpu.memory_space<vmem>>[vector<16xi32>], vector<16xi32>,
      %add3A_199 = arith.constant 130 : i32
      %add3A_200 = vector.broadcast %add3A_199 : i32 to vector<16xi32>
      %add3A_201 = arith.addi %mul3A_9, %add3A_200 : vector<16xi32>
      %gather3A_202 = arith.constant 0 : i32
      %gather3A_203 = arith.constant 0 : i32
      %gather3A_204 = tpu.memref_slice %arg5[%gather3A_202, %gather3A_203] : memref<2x512xi32, #tpu.memory_space<vmem>> -> memref<1x512xi32, #tpu.memory_space<vmem>>
      %gather3A_205 = tpu.memref_squeeze %gather3A_204 : memref<1x512xi32, #tpu.memory_space<vmem>> -> memref<512xi32, #tpu.memory_space<vmem>>
      %gather3A_206 = tpu.vector_load_idx %gather3A_205[%add3A_201] : memref<512xi32, #tpu.memory_space<vmem>>[vector<16xi32>], vector<16xi32>,
      %add3A_207 = arith.constant 131 : i32
      %add3A_208 = vector.broadcast %add3A_207 : i32 to vector<16xi32>
      %add3A_209 = arith.addi %mul3A_9, %add3A_208 : vector<16xi32>
      %gather3A_210 = arith.constant 0 : i32
      %gather3A_211 = arith.constant 0 : i32
      %gather3A_212 = tpu.memref_slice %arg5[%gather3A_210, %gather3A_211] : memref<2x512xi32, #tpu.memory_space<vmem>> -> memref<1x512xi32, #tpu.memory_space<vmem>>
      %gather3A_213 = tpu.memref_squeeze %gather3A_212 : memref<1x512xi32, #tpu.memory_space<vmem>> -> memref<512xi32, #tpu.memory_space<vmem>>
      %gather3A_214 = tpu.vector_load_idx %gather3A_213[%add3A_209] : memref<512xi32, #tpu.memory_space<vmem>>[vector<16xi32>], vector<16xi32>,
      %mul3A_215 = arith.constant 5 : i32
      %mul3A_216 = vector.broadcast %mul3A_215 : i32 to vector<16xi32>
      %mul3A_217 = arith.muli %gather3A_190, %mul3A_216 : vector<16xi32>
      %add3A_218 = arith.addi %mul3A_217, %gather3A_198 : vector<16xi32>
      %mul3A_219 = arith.constant 5 : i32
      %mul3A_220 = vector.broadcast %mul3A_219 : i32 to vector<16xi32>
      %mul3A_221 = arith.muli %add3A_218, %mul3A_220 : vector<16xi32>
      %add3A_222 = arith.addi %mul3A_221, %gather3A_206 : vector<16xi32>
      %mul3A_223 = arith.constant 5 : i32
      %mul3A_224 = vector.broadcast %mul3A_223 : i32 to vector<16xi32>
      %mul3A_225 = arith.muli %add3A_222, %mul3A_224 : vector<16xi32>
      %add3A_226 = arith.addi %mul3A_225, %gather3A_214 : vector<16xi32>
      %swap3A_227 = arith.constant 0 : i32
      %swap3A_228 = arith.index_cast %swap3A_227 : i32 to index
      %swap3A_229 = arith.constant 32 : index
      %swap3A_230 = tpu.vector_load %arg6[%swap3A_228, %swap3A_229] {strides = array<i32>} : memref<2x128xi32, #tpu.memory_space<vmem>>, vector<16xi32>,
      tpu.vector_store %arg6[%swap3A_228, %swap3A_229], %add3A_226 {strides = array<i32>} : memref<2x128xi32, #tpu.memory_space<vmem>>, vector<16xi32>,
      %add3A_231 = arith.constant 192 : i32
      %add3A_232 = vector.broadcast %add3A_231 : i32 to vector<16xi32>
      %add3A_233 = arith.addi %mul3A_9, %add3A_232 : vector<16xi32>
      %gather3A_234 = arith.constant 0 : i32
      %gather3A_235 = arith.constant 0 : i32
      %gather3A_236 = tpu.memref_slice %arg5[%gather3A_234, %gather3A_235] : memref<2x512xi32, #tpu.memory_space<vmem>> -> memref<1x512xi32, #tpu.memory_space<vmem>>
      %gather3A_237 = tpu.memref_squeeze %gather3A_236 : memref<1x512xi32, #tpu.memory_space<vmem>> -> memref<512xi32, #tpu.memory_space<vmem>>
      %gather3A_238 = tpu.vector_load_idx %gather3A_237[%add3A_233] : memref<512xi32, #tpu.memory_space<vmem>>[vector<16xi32>], vector<16xi32>,
      %add3A_239 = arith.constant 193 : i32
      %add3A_240 = vector.broadcast %add3A_239 : i32 to vector<16xi32>
      %add3A_241 = arith.addi %mul3A_9, %add3A_240 : vector<16xi32>
      %gather3A_242 = arith.constant 0 : i32
      %gather3A_243 = arith.constant 0 : i32
      %gather3A_244 = tpu.memref_slice %arg5[%gather3A_242, %gather3A_243] : memref<2x512xi32, #tpu.memory_space<vmem>> -> memref<1x512xi32, #tpu.memory_space<vmem>>
      %gather3A_245 = tpu.memref_squeeze %gather3A_244 : memref<1x512xi32, #tpu.memory_space<vmem>> -> memref<512xi32, #tpu.memory_space<vmem>>
      %gather3A_246 = tpu.vector_load_idx %gather3A_245[%add3A_241] : memref<512xi32, #tpu.memory_space<vmem>>[vector<16xi32>], vector<16xi32>,
      %add3A_247 = arith.constant 194 : i32
      %add3A_248 = vector.broadcast %add3A_247 : i32 to vector<16xi32>
      %add3A_249 = arith.addi %mul3A_9, %add3A_248 : vector<16xi32>
      %gather3A_250 = arith.constant 0 : i32
      %gather3A_251 = arith.constant 0 : i32
      %gather3A_252 = tpu.memref_slice %arg5[%gather3A_250, %gather3A_251] : memref<2x512xi32, #tpu.memory_space<vmem>> -> memref<1x512xi32, #tpu.memory_space<vmem>>
      %gather3A_253 = tpu.memref_squeeze %gather3A_252 : memref<1x512xi32, #tpu.memory_space<vmem>> -> memref<512xi32, #tpu.memory_space<vmem>>
      %gather3A_254 = tpu.vector_load_idx %gather3A_253[%add3A_249] : memref<512xi32, #tpu.memory_space<vmem>>[vector<16xi32>], vector<16xi32>,
      %add3A_255 = arith.constant 195 : i32
      %add3A_256 = vector.broadcast %add3A_255 : i32 to vector<16xi32>
      %add3A_257 = arith.addi %mul3A_9, %add3A_256 : vector<16xi32>
      %gather3A_258 = arith.constant 0 : i32
      %gather3A_259 = arith.constant 0 : i32
      %gather3A_260 = tpu.memref_slice %arg5[%gather3A_258, %gather3A_259] : memref<2x512xi32, #tpu.memory_space<vmem>> -> memref<1x512xi32, #tpu.memory_space<vmem>>
      %gather3A_261 = tpu.memref_squeeze %gather3A_260 : memref<1x512xi32, #tpu.memory_space<vmem>> -> memref<512xi32, #tpu.memory_space<vmem>>
      %gather3A_262 = tpu.vector_load_idx %gather3A_261[%add3A_257] : memref<512xi32, #tpu.memory_space<vmem>>[vector<16xi32>], vector<16xi32>,
      %mul3A_263 = arith.constant 5 : i32
      %mul3A_264 = vector.broadcast %mul3A_263 : i32 to vector<16xi32>
      %mul3A_265 = arith.muli %gather3A_238, %mul3A_264 : vector<16xi32>
      %add3A_266 = arith.addi %mul3A_265, %gather3A_246 : vector<16xi32>
      %mul3A_267 = arith.constant 5 : i32
      %mul3A_268 = vector.broadcast %mul3A_267 : i32 to vector<16xi32>
      %mul3A_269 = arith.muli %add3A_266, %mul3A_268 : vector<16xi32>
      %add3A_270 = arith.addi %mul3A_269, %gather3A_254 : vector<16xi32>
      %mul3A_271 = arith.constant 5 : i32
      %mul3A_272 = vector.broadcast %mul3A_271 : i32 to vector<16xi32>
      %mul3A_273 = arith.muli %add3A_270, %mul3A_272 : vector<16xi32>
      %add3A_274 = arith.addi %mul3A_273, %gather3A_262 : vector<16xi32>
      %swap3A_275 = arith.constant 0 : i32
      %swap3A_276 = arith.index_cast %swap3A_275 : i32 to index
      %swap3A_277 = arith.constant 48 : index
      %swap3A_278 = tpu.vector_load %arg6[%swap3A_276, %swap3A_277] {strides = array<i32>} : memref<2x128xi32, #tpu.memory_space<vmem>>, vector<16xi32>,
      tpu.vector_store %arg6[%swap3A_276, %swap3A_277], %add3A_274 {strides = array<i32>} : memref<2x128xi32, #tpu.memory_space<vmem>>, vector<16xi32>,
      %add3A_279 = arith.constant 256 : i32
      %add3A_280 = vector.broadcast %add3A_279 : i32 to vector<16xi32>
      %add3A_281 = arith.addi %mul3A_9, %add3A_280 : vector<16xi32>
      %gather3A_282 = arith.constant 0 : i32
      %gather3A_283 = arith.constant 0 : i32
      %gather3A_284 = tpu.memref_slice %arg5[%gather3A_282, %gather3A_283] : memref<2x512xi32, #tpu.memory_space<vmem>> -> memref<1x512xi32, #tpu.memory_space<vmem>>
      %gather3A_285 = tpu.memref_squeeze %gather3A_284 : memref<1x512xi32, #tpu.memory_space<vmem>> -> memref<512xi32, #tpu.memory_space<vmem>>
      %gather3A_286 = tpu.vector_load_idx %gather3A_285[%add3A_281] : memref<512xi32, #tpu.memory_space<vmem>>[vector<16xi32>], vector<16xi32>,
      %add3A_287 = arith.constant 257 : i32
      %add3A_288 = vector.broadcast %add3A_287 : i32 to vector<16xi32>
      %add3A_289 = arith.addi %mul3A_9, %add3A_288 : vector<16xi32>
      %gather3A_290 = arith.constant 0 : i32
      %gather3A_291 = arith.constant 0 : i32
      %gather3A_292 = tpu.memref_slice %arg5[%gather3A_290, %gather3A_291] : memref<2x512xi32, #tpu.memory_space<vmem>> -> memref<1x512xi32, #tpu.memory_space<vmem>>
      %gather3A_293 = tpu.memref_squeeze %gather3A_292 : memref<1x512xi32, #tpu.memory_space<vmem>> -> memref<512xi32, #tpu.memory_space<vmem>>
      %gather3A_294 = tpu.vector_load_idx %gather3A_293[%add3A_289] : memref<512xi32, #tpu.memory_space<vmem>>[vector<16xi32>], vector<16xi32>,
      %add3A_295 = arith.constant 258 : i32
      %add3A_296 = vector.broadcast %add3A_295 : i32 to vector<16xi32>
      %add3A_297 = arith.addi %mul3A_9, %add3A_296 : vector<16xi32>
      %gather3A_298 = arith.constant 0 : i32
      %gather3A_299 = arith.constant 0 : i32
      %gather3A_300 = tpu.memref_slice %arg5[%gather3A_298, %gather3A_299] : memref<2x512xi32, #tpu.memory_space<vmem>> -> memref<1x512xi32, #tpu.memory_space<vmem>>
      %gather3A_301 = tpu.memref_squeeze %gather3A_300 : memref<1x512xi32, #tpu.memory_space<vmem>> -> memref<512xi32, #tpu.memory_space<vmem>>
      %gather3A_302 = tpu.vector_load_idx %gather3A_301[%add3A_297] : memref<512xi32, #tpu.memory_space<vmem>>[vector<16xi32>], vector<16xi32>,
      %add3A_303 = arith.constant 259 : i32
      %add3A_304 = vector.broadcast %add3A_303 : i32 to vector<16xi32>
      %add3A_305 = arith.addi %mul3A_9, %add3A_304 : vector<16xi32>
      %gather3A_306 = arith.constant 0 : i32
      %gather3A_307 = arith.constant 0 : i32
      %gather3A_308 = tpu.memref_slice %arg5[%gather3A_306, %gather3A_307] : memref<2x512xi32, #tpu.memory_space<vmem>> -> memref<1x512xi32, #tpu.memory_space<vmem>>
      %gather3A_309 = tpu.memref_squeeze %gather3A_308 : memref<1x512xi32, #tpu.memory_space<vmem>> -> memref<512xi32, #tpu.memory_space<vmem>>
      %gather3A_310 = tpu.vector_load_idx %gather3A_309[%add3A_305] : memref<512xi32, #tpu.memory_space<vmem>>[vector<16xi32>], vector<16xi32>,
      %mul3A_311 = arith.constant 5 : i32
      %mul3A_312 = vector.broadcast %mul3A_311 : i32 to vector<16xi32>
      %mul3A_313 = arith.muli %gather3A_286, %mul3A_312 : vector<16xi32>
      %add3A_314 = arith.addi %mul3A_313, %gather3A_294 : vector<16xi32>
      %mul3A_315 = arith.constant 5 : i32
      %mul3A_316 = vector.broadcast %mul3A_315 : i32 to vector<16xi32>
      %mul3A_317 = arith.muli %add3A_314, %mul3A_316 : vector<16xi32>
      %add3A_318 = arith.addi %mul3A_317, %gather3A_302 : vector<16xi32>
      %mul3A_319 = arith.constant 5 : i32
      %mul3A_320 = vector.broadcast %mul3A_319 : i32 to vector<16xi32>
      %mul3A_321 = arith.muli %add3A_318, %mul3A_320 : vector<16xi32>
      %add3A_322 = arith.addi %mul3A_321, %gather3A_310 : vector<16xi32>
      %swap3A_323 = arith.constant 0 : i32
      %swap3A_324 = arith.index_cast %swap3A_323 : i32 to index
      %swap3A_325 = arith.constant 64 : index
      %swap3A_326 = tpu.vector_load %arg6[%swap3A_324, %swap3A_325] {strides = array<i32>} : memref<2x128xi32, #tpu.memory_space<vmem>>, vector<16xi32>,
      tpu.vector_store %arg6[%swap3A_324, %swap3A_325], %add3A_322 {strides = array<i32>} : memref<2x128xi32, #tpu.memory_space<vmem>>, vector<16xi32>,
      %add3A_327 = arith.constant 320 : i32
      %add3A_328 = vector.broadcast %add3A_327 : i32 to vector<16xi32>
      %add3A_329 = arith.addi %mul3A_9, %add3A_328 : vector<16xi32>
      %gather3A_330 = arith.constant 0 : i32
      %gather3A_331 = arith.constant 0 : i32
      %gather3A_332 = tpu.memref_slice %arg5[%gather3A_330, %gather3A_331] : memref<2x512xi32, #tpu.memory_space<vmem>> -> memref<1x512xi32, #tpu.memory_space<vmem>>
      %gather3A_333 = tpu.memref_squeeze %gather3A_332 : memref<1x512xi32, #tpu.memory_space<vmem>> -> memref<512xi32, #tpu.memory_space<vmem>>
      %gather3A_334 = tpu.vector_load_idx %gather3A_333[%add3A_329] : memref<512xi32, #tpu.memory_space<vmem>>[vector<16xi32>], vector<16xi32>,
      %add3A_335 = arith.constant 321 : i32
      %add3A_336 = vector.broadcast %add3A_335 : i32 to vector<16xi32>
      %add3A_337 = arith.addi %mul3A_9, %add3A_336 : vector<16xi32>
      %gather3A_338 = arith.constant 0 : i32
      %gather3A_339 = arith.constant 0 : i32
      %gather3A_340 = tpu.memref_slice %arg5[%gather3A_338, %gather3A_339] : memref<2x512xi32, #tpu.memory_space<vmem>> -> memref<1x512xi32, #tpu.memory_space<vmem>>
      %gather3A_341 = tpu.memref_squeeze %gather3A_340 : memref<1x512xi32, #tpu.memory_space<vmem>> -> memref<512xi32, #tpu.memory_space<vmem>>
      %gather3A_342 = tpu.vector_load_idx %gather3A_341[%add3A_337] : memref<512xi32, #tpu.memory_space<vmem>>[vector<16xi32>], vector<16xi32>,
      %add3A_343 = arith.constant 322 : i32
      %add3A_344 = vector.broadcast %add3A_343 : i32 to vector<16xi32>
      %add3A_345 = arith.addi %mul3A_9, %add3A_344 : vector<16xi32>
      %gather3A_346 = arith.constant 0 : i32
      %gather3A_347 = arith.constant 0 : i32
      %gather3A_348 = tpu.memref_slice %arg5[%gather3A_346, %gather3A_347] : memref<2x512xi32, #tpu.memory_space<vmem>> -> memref<1x512xi32, #tpu.memory_space<vmem>>
      %gather3A_349 = tpu.memref_squeeze %gather3A_348 : memref<1x512xi32, #tpu.memory_space<vmem>> -> memref<512xi32, #tpu.memory_space<vmem>>
      %gather3A_350 = tpu.vector_load_idx %gather3A_349[%add3A_345] : memref<512xi32, #tpu.memory_space<vmem>>[vector<16xi32>], vector<16xi32>,
      %add3A_351 = arith.constant 323 : i32
      %add3A_352 = vector.broadcast %add3A_351 : i32 to vector<16xi32>
      %add3A_353 = arith.addi %mul3A_9, %add3A_352 : vector<16xi32>
      %gather3A_354 = arith.constant 0 : i32
      %gather3A_355 = arith.constant 0 : i32
      %gather3A_356 = tpu.memref_slice %arg5[%gather3A_354, %gather3A_355] : memref<2x512xi32, #tpu.memory_space<vmem>> -> memref<1x512xi32, #tpu.memory_space<vmem>>
      %gather3A_357 = tpu.memref_squeeze %gather3A_356 : memref<1x512xi32, #tpu.memory_space<vmem>> -> memref<512xi32, #tpu.memory_space<vmem>>
      %gather3A_358 = tpu.vector_load_idx %gather3A_357[%add3A_353] : memref<512xi32, #tpu.memory_space<vmem>>[vector<16xi32>], vector<16xi32>,
      %mul3A_359 = arith.constant 5 : i32
      %mul3A_360 = vector.broadcast %mul3A_359 : i32 to vector<16xi32>
      %mul3A_361 = arith.muli %gather3A_334, %mul3A_360 : vector<16xi32>
      %add3A_362 = arith.addi %mul3A_361, %gather3A_342 : vector<16xi32>
      %mul3A_363 = arith.constant 5 : i32
      %mul3A_364 = vector.broadcast %mul3A_363 : i32 to vector<16xi32>
      %mul3A_365 = arith.muli %add3A_362, %mul3A_364 : vector<16xi32>
      %add3A_366 = arith.addi %mul3A_365, %gather3A_350 : vector<16xi32>
      %mul3A_367 = arith.constant 5 : i32
      %mul3A_368 = vector.broadcast %mul3A_367 : i32 to vector<16xi32>
      %mul3A_369 = arith.muli %add3A_366, %mul3A_368 : vector<16xi32>
      %add3A_370 = arith.addi %mul3A_369, %gather3A_358 : vector<16xi32>
      %swap3A_371 = arith.constant 0 : i32
      %swap3A_372 = arith.index_cast %swap3A_371 : i32 to index
      %swap3A_373 = arith.constant 80 : index
      %swap3A_374 = tpu.vector_load %arg6[%swap3A_372, %swap3A_373] {strides = array<i32>} : memref<2x128xi32, #tpu.memory_space<vmem>>, vector<16xi32>,
      tpu.vector_store %arg6[%swap3A_372, %swap3A_373], %add3A_370 {strides = array<i32>} : memref<2x128xi32, #tpu.memory_space<vmem>>, vector<16xi32>,
      %add3A_375 = arith.constant 384 : i32
      %add3A_376 = vector.broadcast %add3A_375 : i32 to vector<16xi32>
      %add3A_377 = arith.addi %mul3A_9, %add3A_376 : vector<16xi32>
      %gather3A_378 = arith.constant 0 : i32
      %gather3A_379 = arith.constant 0 : i32
      %gather3A_380 = tpu.memref_slice %arg5[%gather3A_378, %gather3A_379] : memref<2x512xi32, #tpu.memory_space<vmem>> -> memref<1x512xi32, #tpu.memory_space<vmem>>
      %gather3A_381 = tpu.memref_squeeze %gather3A_380 : memref<1x512xi32, #tpu.memory_space<vmem>> -> memref<512xi32, #tpu.memory_space<vmem>>
      %gather3A_382 = tpu.vector_load_idx %gather3A_381[%add3A_377] : memref<512xi32, #tpu.memory_space<vmem>>[vector<16xi32>], vector<16xi32>,
      %add3A_383 = arith.constant 385 : i32
      %add3A_384 = vector.broadcast %add3A_383 : i32 to vector<16xi32>
      %add3A_385 = arith.addi %mul3A_9, %add3A_384 : vector<16xi32>
      %gather3A_386 = arith.constant 0 : i32
      %gather3A_387 = arith.constant 0 : i32
      %gather3A_388 = tpu.memref_slice %arg5[%gather3A_386, %gather3A_387] : memref<2x512xi32, #tpu.memory_space<vmem>> -> memref<1x512xi32, #tpu.memory_space<vmem>>
      %gather3A_389 = tpu.memref_squeeze %gather3A_388 : memref<1x512xi32, #tpu.memory_space<vmem>> -> memref<512xi32, #tpu.memory_space<vmem>>
      %gather3A_390 = tpu.vector_load_idx %gather3A_389[%add3A_385] : memref<512xi32, #tpu.memory_space<vmem>>[vector<16xi32>], vector<16xi32>,
      %add3A_391 = arith.constant 386 : i32
      %add3A_392 = vector.broadcast %add3A_391 : i32 to vector<16xi32>
      %add3A_393 = arith.addi %mul3A_9, %add3A_392 : vector<16xi32>
      %gather3A_394 = arith.constant 0 : i32
      %gather3A_395 = arith.constant 0 : i32
      %gather3A_396 = tpu.memref_slice %arg5[%gather3A_394, %gather3A_395] : memref<2x512xi32, #tpu.memory_space<vmem>> -> memref<1x512xi32, #tpu.memory_space<vmem>>
      %gather3A_397 = tpu.memref_squeeze %gather3A_396 : memref<1x512xi32, #tpu.memory_space<vmem>> -> memref<512xi32, #tpu.memory_space<vmem>>
      %gather3A_398 = tpu.vector_load_idx %gather3A_397[%add3A_393] : memref<512xi32, #tpu.memory_space<vmem>>[vector<16xi32>], vector<16xi32>,
      %add3A_399 = arith.constant 387 : i32
      %add3A_400 = vector.broadcast %add3A_399 : i32 to vector<16xi32>
      %add3A_401 = arith.addi %mul3A_9, %add3A_400 : vector<16xi32>
      %gather3A_402 = arith.constant 0 : i32
      %gather3A_403 = arith.constant 0 : i32
      %gather3A_404 = tpu.memref_slice %arg5[%gather3A_402, %gather3A_403] : memref<2x512xi32, #tpu.memory_space<vmem>> -> memref<1x512xi32, #tpu.memory_space<vmem>>
      %gather3A_405 = tpu.memref_squeeze %gather3A_404 : memref<1x512xi32, #tpu.memory_space<vmem>> -> memref<512xi32, #tpu.memory_space<vmem>>
      %gather3A_406 = tpu.vector_load_idx %gather3A_405[%add3A_401] : memref<512xi32, #tpu.memory_space<vmem>>[vector<16xi32>], vector<16xi32>,
      %mul3A_407 = arith.constant 5 : i32
      %mul3A_408 = vector.broadcast %mul3A_407 : i32 to vector<16xi32>
      %mul3A_409 = arith.muli %gather3A_382, %mul3A_408 : vector<16xi32>
      %add3A_410 = arith.addi %mul3A_409, %gather3A_390 : vector<16xi32>
      %mul3A_411 = arith.constant 5 : i32
      %mul3A_412 = vector.broadcast %mul3A_411 : i32 to vector<16xi32>
      %mul3A_413 = arith.muli %add3A_410, %mul3A_412 : vector<16xi32>
      %add3A_414 = arith.addi %mul3A_413, %gather3A_398 : vector<16xi32>
      %mul3A_415 = arith.constant 5 : i32
      %mul3A_416 = vector.broadcast %mul3A_415 : i32 to vector<16xi32>
      %mul3A_417 = arith.muli %add3A_414, %mul3A_416 : vector<16xi32>
      %add3A_418 = arith.addi %mul3A_417, %gather3A_406 : vector<16xi32>
      %swap3A_419 = arith.constant 0 : i32
      %swap3A_420 = arith.index_cast %swap3A_419 : i32 to index
      %swap3A_421 = arith.constant 96 : index
      %swap3A_422 = tpu.vector_load %arg6[%swap3A_420, %swap3A_421] {strides = array<i32>} : memref<2x128xi32, #tpu.memory_space<vmem>>, vector<16xi32>,
      tpu.vector_store %arg6[%swap3A_420, %swap3A_421], %add3A_418 {strides = array<i32>} : memref<2x128xi32, #tpu.memory_space<vmem>>, vector<16xi32>,
      %add3A_423 = arith.constant 448 : i32
      %add3A_424 = vector.broadcast %add3A_423 : i32 to vector<16xi32>
      %add3A_425 = arith.addi %mul3A_9, %add3A_424 : vector<16xi32>
      %gather3A_426 = arith.constant 0 : i32
      %gather3A_427 = arith.constant 0 : i32
      %gather3A_428 = tpu.memref_slice %arg5[%gather3A_426, %gather3A_427] : memref<2x512xi32, #tpu.memory_space<vmem>> -> memref<1x512xi32, #tpu.memory_space<vmem>>
      %gather3A_429 = tpu.memref_squeeze %gather3A_428 : memref<1x512xi32, #tpu.memory_space<vmem>> -> memref<512xi32, #tpu.memory_space<vmem>>
      %gather3A_430 = tpu.vector_load_idx %gather3A_429[%add3A_425] : memref<512xi32, #tpu.memory_space<vmem>>[vector<16xi32>], vector<16xi32>,
      %add3A_431 = arith.constant 449 : i32
      %add3A_432 = vector.broadcast %add3A_431 : i32 to vector<16xi32>
      %add3A_433 = arith.addi %mul3A_9, %add3A_432 : vector<16xi32>
      %gather3A_434 = arith.constant 0 : i32
      %gather3A_435 = arith.constant 0 : i32
      %gather3A_436 = tpu.memref_slice %arg5[%gather3A_434, %gather3A_435] : memref<2x512xi32, #tpu.memory_space<vmem>> -> memref<1x512xi32, #tpu.memory_space<vmem>>
      %gather3A_437 = tpu.memref_squeeze %gather3A_436 : memref<1x512xi32, #tpu.memory_space<vmem>> -> memref<512xi32, #tpu.memory_space<vmem>>
      %gather3A_438 = tpu.vector_load_idx %gather3A_437[%add3A_433] : memref<512xi32, #tpu.memory_space<vmem>>[vector<16xi32>], vector<16xi32>,
      %add3A_439 = arith.constant 450 : i32
      %add3A_440 = vector.broadcast %add3A_439 : i32 to vector<16xi32>
      %add3A_441 = arith.addi %mul3A_9, %add3A_440 : vector<16xi32>
      %gather3A_442 = arith.constant 0 : i32
      %gather3A_443 = arith.constant 0 : i32
      %gather3A_444 = tpu.memref_slice %arg5[%gather3A_442, %gather3A_443] : memref<2x512xi32, #tpu.memory_space<vmem>> -> memref<1x512xi32, #tpu.memory_space<vmem>>
      %gather3A_445 = tpu.memref_squeeze %gather3A_444 : memref<1x512xi32, #tpu.memory_space<vmem>> -> memref<512xi32, #tpu.memory_space<vmem>>
      %gather3A_446 = tpu.vector_load_idx %gather3A_445[%add3A_441] : memref<512xi32, #tpu.memory_space<vmem>>[vector<16xi32>], vector<16xi32>,
      %add3A_447 = arith.constant 451 : i32
      %add3A_448 = vector.broadcast %add3A_447 : i32 to vector<16xi32>
      %add3A_449 = arith.addi %mul3A_9, %add3A_448 : vector<16xi32>
      %gather3A_450 = arith.constant 0 : i32
      %gather3A_451 = arith.constant 0 : i32
      %gather3A_452 = tpu.memref_slice %arg5[%gather3A_450, %gather3A_451] : memref<2x512xi32, #tpu.memory_space<vmem>> -> memref<1x512xi32, #tpu.memory_space<vmem>>
      %gather3A_453 = tpu.memref_squeeze %gather3A_452 : memref<1x512xi32, #tpu.memory_space<vmem>> -> memref<512xi32, #tpu.memory_space<vmem>>
      %gather3A_454 = tpu.vector_load_idx %gather3A_453[%add3A_449] : memref<512xi32, #tpu.memory_space<vmem>>[vector<16xi32>], vector<16xi32>,
      %mul3A_455 = arith.constant 5 : i32
      %mul3A_456 = vector.broadcast %mul3A_455 : i32 to vector<16xi32>
      %mul3A_457 = arith.muli %gather3A_430, %mul3A_456 : vector<16xi32>
      %add3A_458 = arith.addi %mul3A_457, %gather3A_438 : vector<16xi32>
      %mul3A_459 = arith.constant 5 : i32
      %mul3A_460 = vector.broadcast %mul3A_459 : i32 to vector<16xi32>
      %mul3A_461 = arith.muli %add3A_458, %mul3A_460 : vector<16xi32>
      %add3A_462 = arith.addi %mul3A_461, %gather3A_446 : vector<16xi32>
      %mul3A_463 = arith.constant 5 : i32
      %mul3A_464 = vector.broadcast %mul3A_463 : i32 to vector<16xi32>
      %mul3A_465 = arith.muli %add3A_462, %mul3A_464 : vector<16xi32>
      %add3A_466 = arith.addi %mul3A_465, %gather3A_454 : vector<16xi32>
      %swap3A_467 = arith.constant 0 : i32
      %swap3A_468 = arith.index_cast %swap3A_467 : i32 to index
      %swap3A_469 = arith.constant 112 : index
      %swap3A_470 = tpu.vector_load %arg6[%swap3A_468, %swap3A_469] {strides = array<i32>} : memref<2x128xi32, #tpu.memory_space<vmem>>, vector<16xi32>,
      tpu.vector_store %arg6[%swap3A_468, %swap3A_469], %add3A_466 {strides = array<i32>} : memref<2x128xi32, #tpu.memory_space<vmem>>, vector<16xi32>,
      %dma_start3A_471 = arith.constant 0 : i32
      %dma_start3A_472 = arith.constant 0 : i32
      %dma_start3A_473 = arith.constant 0 : i32
      %dma_start3A_474 = arith.constant 0 : i32
      %dma_start3A_475 = tpu.memref_slice %arg7[%dma_start3A_472, %dma_start3A_473, %dma_start3A_474] : memref<2x128x256xf32, #tpu.memory_space<vmem>> -> memref<1x128x256xf32, #tpu.memory_space<vmem>>
      %dma_start3A_476 = tpu.memref_squeeze %dma_start3A_475 : memref<1x128x256xf32, #tpu.memory_space<vmem>> -> memref<128x256xf32, #tpu.memory_space<vmem>>
      %dma_start3A_477 = arith.constant 0 : i32
      %dma_start3A_478 = tpu.memref_slice %arg6[%dma_start3A_471, %dma_start3A_477] : memref<2x128xi32, #tpu.memory_space<vmem>> -> memref<1x128xi32, #tpu.memory_space<vmem>>
      %dma_start3A_479 = tpu.memref_squeeze %dma_start3A_478 : memref<1x128xi32, #tpu.memory_space<vmem>> -> memref<128xi32, #tpu.memory_space<vmem>>
      %dma_start3A_480 = arith.constant 0 : i32
      %dma_start3A_481 = arith.constant 0 : i32
      %dma_start3A_482 = tpu.memref_slice %arg8[%dma_start3A_480, %dma_start3A_481] : memref<625x256xf32, #tpu.memory_space<vmem_shared>> -> memref<625x256xf32, #tpu.memory_space<vmem_shared>>
      tpu.enqueue_indirect_dma source(%dma_start3A_482 : memref<625x256xf32, #tpu.memory_space<vmem_shared>>) target(%dma_start3A_476 : memref<128x256xf32, #tpu.memory_space<vmem>>) offsets(%dma_start3A_479 : memref<128xi32, #tpu.memory_space<vmem>>) semaphore(%arg11 : memref<!tpu.dma_semaphore, #tpu.memory_space<semaphore_mem>>)
      %dma_wait3A_483 = arith.constant 0 : i32
      %dma_wait3A_484 = arith.constant 0 : i32
      %dma_wait3A_485 = arith.constant 0 : i32
      %dma_wait3A_486 = arith.constant 0 : i32
      %dma_wait3A_487 = tpu.memref_slice %arg7[%dma_wait3A_484, %dma_wait3A_485, %dma_wait3A_486] : memref<2x128x256xf32, #tpu.memory_space<vmem>> -> memref<1x128x256xf32, #tpu.memory_space<vmem>>
      %dma_wait3A_488 = tpu.memref_squeeze %dma_wait3A_487 : memref<1x128x256xf32, #tpu.memory_space<vmem>> -> memref<128x256xf32, #tpu.memory_space<vmem>>
      %dma_wait3A_489 = arith.constant 0 : i32
      %dma_wait3A_490 = tpu.memref_slice %arg6[%dma_wait3A_483, %dma_wait3A_489] : memref<2x128xi32, #tpu.memory_space<vmem>> -> memref<1x128xi32, #tpu.memory_space<vmem>>
      %dma_wait3A_491 = tpu.memref_squeeze %dma_wait3A_490 : memref<1x128xi32, #tpu.memory_space<vmem>> -> memref<128xi32, #tpu.memory_space<vmem>>
      %dma_wait3A_492 = arith.constant 0 : i32
      %dma_wait3A_493 = arith.constant 0 : i32
      %dma_wait3A_494 = tpu.memref_slice %arg8[%dma_wait3A_492, %dma_wait3A_493] : memref<625x256xf32, #tpu.memory_space<vmem_shared>> -> memref<625x256xf32, #tpu.memory_space<vmem_shared>>
      tpu.wait_indirect_dma semaphore(%arg11 : memref<!tpu.dma_semaphore, #tpu.memory_space<semaphore_mem>>) src(%dma_wait3A_494 : memref<625x256xf32, #tpu.memory_space<vmem_shared>>) dst(%dma_wait3A_488 : memref<128x256xf32, #tpu.memory_space<vmem>>)
      %dma_start3A_495 = arith.constant 0 : i32
      %dma_start3A_496 = arith.constant 0 : i32
      %dma_start3A_497 = arith.constant 0 : i32
      %dma_start3A_498 = tpu.memref_slice %arg7[%dma_start3A_495, %dma_start3A_496, %dma_start3A_497] : memref<2x128x256xf32, #tpu.memory_space<vmem>> -> memref<1x128x256xf32, #tpu.memory_space<vmem>>
      %dma_start3A_499 = tpu.memref_squeeze %dma_start3A_498 : memref<1x128x256xf32, #tpu.memory_space<vmem>> -> memref<128x256xf32, #tpu.memory_space<vmem>>
      %dma_start3A_500 = arith.constant 0 : i32
      %dma_start3A_501 = tpu.memref_slice %arg4[%add3A_75, %dma_start3A_500] : memref<819200x256xf32, #tpu.memory_space<hbm>> -> memref<128x256xf32, #tpu.memory_space<hbm>>
      %dma_start3A_502 = arith.constant 0 : i32
      %dma_start3A_503 = tpu.memref_slice %arg4[%add3A_75, %dma_start3A_502] : memref<819200x256xf32, #tpu.memory_space<hbm>> -> memref<128x256xf32, #tpu.memory_space<hbm>>
      %dma_start3A_504 = arith.constant 0 : i32
      %dma_start3A_505 = arith.constant 0 : i32
      %dma_start3A_506 = tpu.memref_slice %arg7[%dma_start3A_495, %dma_start3A_504, %dma_start3A_505] : memref<2x128x256xf32, #tpu.memory_space<vmem>> -> memref<1x128x256xf32, #tpu.memory_space<vmem>>
      %dma_start3A_507 = tpu.memref_squeeze %dma_start3A_506 : memref<1x128x256xf32, #tpu.memory_space<vmem>> -> memref<128x256xf32, #tpu.memory_space<vmem>>
      tpu.enqueue_dma source(%dma_start3A_507 : memref<128x256xf32, #tpu.memory_space<vmem>>) target(%dma_start3A_503 : memref<128x256xf32, #tpu.memory_space<hbm>>) target_semaphore(%arg13 : memref<!tpu.dma_semaphore, #tpu.memory_space<semaphore_mem>>)
      %add3A_508 = arith.constant 2 : i32
      %add3A_509 = arith.addi %add3A_69, %add3A_508 : i32
      %lt3A = arith.constant 200 : i32
      %lt3A_510 = arith.cmpi slt, %add3A_509, %lt3A : i32
      %convert_element_type3A_511 = arith.extui %lt3A_510 : i1 to i32
      %cond3A_512 = arith.constant 0 : i32
      %cond3A_513 = arith.cmpi ne, %convert_element_type3A_511, %cond3A_512 : i32
      scf.if %cond3A_513 {
        %add3A_966 = arith.constant 1024 : i32
        %add3A_967 = arith.addi %add3A_72, %add3A_966 : i32
        %dma_start3A_968 = arith.constant 0 : i32
        %dma_start3A_969 = arith.constant 0 : i32
        %dma_start3A_970 = tpu.memref_slice %arg5[%dma_start3A_968, %dma_start3A_969] : memref<2x512xi32, #tpu.memory_space<vmem>> -> memref<1x512xi32, #tpu.memory_space<vmem>>
        %dma_start3A_971 = tpu.memref_squeeze %dma_start3A_970 : memref<1x512xi32, #tpu.memory_space<vmem>> -> memref<512xi32, #tpu.memory_space<vmem>>
        %dma_start3A_972 = tpu.memref_slice %arg3[%add3A_967] : memref<3276800xi32, #tpu.memory_space<hbm>> -> memref<512xi32, #tpu.memory_space<hbm>>
        %dma_start3A_973 = arith.constant 0 : i32
        %dma_start3A_974 = tpu.memref_slice %arg5[%dma_start3A_968, %dma_start3A_973] : memref<2x512xi32, #tpu.memory_space<vmem>> -> memref<1x512xi32, #tpu.memory_space<vmem>>
        %dma_start3A_975 = tpu.memref_squeeze %dma_start3A_974 : memref<1x512xi32, #tpu.memory_space<vmem>> -> memref<512xi32, #tpu.memory_space<vmem>>
        %dma_start3A_976 = tpu.memref_slice %arg3[%add3A_967] : memref<3276800xi32, #tpu.memory_space<hbm>> -> memref<512xi32, #tpu.memory_space<hbm>>
        tpu.enqueue_dma source(%dma_start3A_976 : memref<512xi32, #tpu.memory_space<hbm>>) target(%dma_start3A_975 : memref<512xi32, #tpu.memory_space<vmem>>) target_semaphore(%arg9 : memref<!tpu.dma_semaphore, #tpu.memory_space<semaphore_mem>>)
      } else {
      }
      %mul3A_514 = arith.constant 2 : i32
      %mul3A_515 = arith.muli %mul3A_514, %scan3A_65 : i32
      %add3A_516 = arith.constant 1 : i32
      %add3A_517 = arith.addi %mul3A_515, %add3A_516 : i32
      %mul3A_518 = arith.constant 512 : i32
      %mul3A_519 = arith.muli %add3A_517, %mul3A_518 : i32
      %add3A_520 = arith.addi %mul3A_2, %mul3A_519 : i32
      %mul3A_521 = arith.constant 128 : i32
      %mul3A_522 = arith.muli %add3A_517, %mul3A_521 : i32
      %add3A_523 = arith.addi %mul3A_4, %mul3A_522 : i32
      %gt3A_524 = arith.constant 0 : i32
      %gt3A_525 = arith.cmpi sgt, %scan3A_65, %gt3A_524 : i32
      %convert_element_type3A_526 = arith.extui %gt3A_525 : i1 to i32
      %cond3A_527 = arith.constant 0 : i32
      %cond3A_528 = arith.cmpi ne, %convert_element_type3A_526, %cond3A_527 : i32
      scf.if %cond3A_528 {
        %sub3A = arith.constant 256 : i32
        %sub3A_966 = arith.subi %add3A_523, %sub3A : i32
        %dma_wait3A_967 = arith.constant 1 : i32
        %dma_wait3A_968 = arith.constant 0 : i32
        %dma_wait3A_969 = arith.constant 0 : i32
        %dma_wait3A_970 = tpu.memref_slice %arg7[%dma_wait3A_967, %dma_wait3A_968, %dma_wait3A_969] : memref<2x128x256xf32, #tpu.memory_space<vmem>> -> memref<1x128x256xf32, #tpu.memory_space<vmem>>
        %dma_wait3A_971 = tpu.memref_squeeze %dma_wait3A_970 : memref<1x128x256xf32, #tpu.memory_space<vmem>> -> memref<128x256xf32, #tpu.memory_space<vmem>>
        %dma_wait3A_972 = arith.constant 0 : i32
        %dma_wait3A_973 = tpu.memref_slice %arg4[%sub3A_966, %dma_wait3A_972] : memref<819200x256xf32, #tpu.memory_space<hbm>> -> memref<128x256xf32, #tpu.memory_space<hbm>>
        %dma_wait3A_974 = arith.constant 0 : i32
        %dma_wait3A_975 = tpu.memref_slice %arg4[%sub3A_966, %dma_wait3A_974] : memref<819200x256xf32, #tpu.memory_space<hbm>> -> memref<128x256xf32, #tpu.memory_space<hbm>>
        %dma_wait3A_976 = arith.constant 0 : i32
        %dma_wait3A_977 = arith.constant 0 : i32
        %dma_wait3A_978 = tpu.memref_slice %arg7[%dma_wait3A_967, %dma_wait3A_976, %dma_wait3A_977] : memref<2x128x256xf32, #tpu.memory_space<vmem>> -> memref<1x128x256xf32, #tpu.memory_space<vmem>>
        %dma_wait3A_979 = tpu.memref_squeeze %dma_wait3A_978 : memref<1x128x256xf32, #tpu.memory_space<vmem>> -> memref<128x256xf32, #tpu.memory_space<vmem>>
        tpu.wait_dma2 semaphore(%arg14 : memref<!tpu.dma_semaphore, #tpu.memory_space<semaphore_mem>>) src(%dma_wait3A_979 : memref<128x256xf32, #tpu.memory_space<vmem>>) dst(%dma_wait3A_975 : memref<128x256xf32, #tpu.memory_space<hbm>>)
      } else {
      }
      %dma_wait3A_529 = arith.constant 1 : i32
      %dma_wait3A_530 = arith.constant 0 : i32
      %dma_wait3A_531 = tpu.memref_slice %arg5[%dma_wait3A_529, %dma_wait3A_530] : memref<2x512xi32, #tpu.memory_space<vmem>> -> memref<1x512xi32, #tpu.memory_space<vmem>>
      %dma_wait3A_532 = tpu.memref_squeeze %dma_wait3A_531 : memref<1x512xi32, #tpu.memory_space<vmem>> -> memref<512xi32, #tpu.memory_space<vmem>>
      %dma_wait3A_533 = tpu.memref_slice %arg3[%add3A_520] : memref<3276800xi32, #tpu.memory_space<hbm>> -> memref<512xi32, #tpu.memory_space<hbm>>
      %dma_wait3A_534 = arith.constant 0 : i32
      %dma_wait3A_535 = tpu.memref_slice %arg5[%dma_wait3A_529, %dma_wait3A_534] : memref<2x512xi32, #tpu.memory_space<vmem>> -> memref<1x512xi32, #tpu.memory_space<vmem>>
      %dma_wait3A_536 = tpu.memref_squeeze %dma_wait3A_535 : memref<1x512xi32, #tpu.memory_space<vmem>> -> memref<512xi32, #tpu.memory_space<vmem>>
      %dma_wait3A_537 = tpu.memref_slice %arg3[%add3A_520] : memref<3276800xi32, #tpu.memory_space<hbm>> -> memref<512xi32, #tpu.memory_space<hbm>>
      tpu.wait_dma2 semaphore(%arg10 : memref<!tpu.dma_semaphore, #tpu.memory_space<semaphore_mem>>) src(%dma_wait3A_537 : memref<512xi32, #tpu.memory_space<hbm>>) dst(%dma_wait3A_536 : memref<512xi32, #tpu.memory_space<vmem>>)
      %add3A_538 = arith.constant 0 : i32
      %add3A_539 = vector.broadcast %add3A_538 : i32 to vector<16xi32>
      %add3A_540 = arith.addi %mul3A_9, %add3A_539 : vector<16xi32>
      %gather3A_541 = arith.constant 1 : i32
      %gather3A_542 = arith.constant 0 : i32
      %gather3A_543 = tpu.memref_slice %arg5[%gather3A_541, %gather3A_542] : memref<2x512xi32, #tpu.memory_space<vmem>> -> memref<1x512xi32, #tpu.memory_space<vmem>>
      %gather3A_544 = tpu.memref_squeeze %gather3A_543 : memref<1x512xi32, #tpu.memory_space<vmem>> -> memref<512xi32, #tpu.memory_space<vmem>>
      %gather3A_545 = tpu.vector_load_idx %gather3A_544[%add3A_540] : memref<512xi32, #tpu.memory_space<vmem>>[vector<16xi32>], vector<16xi32>,
      %add3A_546 = arith.constant 1 : i32
      %add3A_547 = vector.broadcast %add3A_546 : i32 to vector<16xi32>
      %add3A_548 = arith.addi %mul3A_9, %add3A_547 : vector<16xi32>
      %gather3A_549 = arith.constant 1 : i32
      %gather3A_550 = arith.constant 0 : i32
      %gather3A_551 = tpu.memref_slice %arg5[%gather3A_549, %gather3A_550] : memref<2x512xi32, #tpu.memory_space<vmem>> -> memref<1x512xi32, #tpu.memory_space<vmem>>
      %gather3A_552 = tpu.memref_squeeze %gather3A_551 : memref<1x512xi32, #tpu.memory_space<vmem>> -> memref<512xi32, #tpu.memory_space<vmem>>
      %gather3A_553 = tpu.vector_load_idx %gather3A_552[%add3A_548] : memref<512xi32, #tpu.memory_space<vmem>>[vector<16xi32>], vector<16xi32>,
      %add3A_554 = arith.constant 2 : i32
      %add3A_555 = vector.broadcast %add3A_554 : i32 to vector<16xi32>
      %add3A_556 = arith.addi %mul3A_9, %add3A_555 : vector<16xi32>
      %gather3A_557 = arith.constant 1 : i32
      %gather3A_558 = arith.constant 0 : i32
      %gather3A_559 = tpu.memref_slice %arg5[%gather3A_557, %gather3A_558] : memref<2x512xi32, #tpu.memory_space<vmem>> -> memref<1x512xi32, #tpu.memory_space<vmem>>
      %gather3A_560 = tpu.memref_squeeze %gather3A_559 : memref<1x512xi32, #tpu.memory_space<vmem>> -> memref<512xi32, #tpu.memory_space<vmem>>
      %gather3A_561 = tpu.vector_load_idx %gather3A_560[%add3A_556] : memref<512xi32, #tpu.memory_space<vmem>>[vector<16xi32>], vector<16xi32>,
      %add3A_562 = arith.constant 3 : i32
      %add3A_563 = vector.broadcast %add3A_562 : i32 to vector<16xi32>
      %add3A_564 = arith.addi %mul3A_9, %add3A_563 : vector<16xi32>
      %gather3A_565 = arith.constant 1 : i32
      %gather3A_566 = arith.constant 0 : i32
      %gather3A_567 = tpu.memref_slice %arg5[%gather3A_565, %gather3A_566] : memref<2x512xi32, #tpu.memory_space<vmem>> -> memref<1x512xi32, #tpu.memory_space<vmem>>
      %gather3A_568 = tpu.memref_squeeze %gather3A_567 : memref<1x512xi32, #tpu.memory_space<vmem>> -> memref<512xi32, #tpu.memory_space<vmem>>
      %gather3A_569 = tpu.vector_load_idx %gather3A_568[%add3A_564] : memref<512xi32, #tpu.memory_space<vmem>>[vector<16xi32>], vector<16xi32>,
      %mul3A_570 = arith.constant 5 : i32
      %mul3A_571 = vector.broadcast %mul3A_570 : i32 to vector<16xi32>
      %mul3A_572 = arith.muli %gather3A_545, %mul3A_571 : vector<16xi32>
      %add3A_573 = arith.addi %mul3A_572, %gather3A_553 : vector<16xi32>
      %mul3A_574 = arith.constant 5 : i32
      %mul3A_575 = vector.broadcast %mul3A_574 : i32 to vector<16xi32>
      %mul3A_576 = arith.muli %add3A_573, %mul3A_575 : vector<16xi32>
      %add3A_577 = arith.addi %mul3A_576, %gather3A_561 : vector<16xi32>
      %mul3A_578 = arith.constant 5 : i32
      %mul3A_579 = vector.broadcast %mul3A_578 : i32 to vector<16xi32>
      %mul3A_580 = arith.muli %add3A_577, %mul3A_579 : vector<16xi32>
      %add3A_581 = arith.addi %mul3A_580, %gather3A_569 : vector<16xi32>
      %swap3A_582 = arith.constant 1 : i32
      %swap3A_583 = arith.index_cast %swap3A_582 : i32 to index
      %swap3A_584 = arith.constant 0 : index
      %swap3A_585 = tpu.vector_load %arg6[%swap3A_583, %swap3A_584] {strides = array<i32>} : memref<2x128xi32, #tpu.memory_space<vmem>>, vector<16xi32>,
      tpu.vector_store %arg6[%swap3A_583, %swap3A_584], %add3A_581 {strides = array<i32>} : memref<2x128xi32, #tpu.memory_space<vmem>>, vector<16xi32>,
      %add3A_586 = arith.constant 64 : i32
      %add3A_587 = vector.broadcast %add3A_586 : i32 to vector<16xi32>
      %add3A_588 = arith.addi %mul3A_9, %add3A_587 : vector<16xi32>
      %gather3A_589 = arith.constant 1 : i32
      %gather3A_590 = arith.constant 0 : i32
      %gather3A_591 = tpu.memref_slice %arg5[%gather3A_589, %gather3A_590] : memref<2x512xi32, #tpu.memory_space<vmem>> -> memref<1x512xi32, #tpu.memory_space<vmem>>
      %gather3A_592 = tpu.memref_squeeze %gather3A_591 : memref<1x512xi32, #tpu.memory_space<vmem>> -> memref<512xi32, #tpu.memory_space<vmem>>
      %gather3A_593 = tpu.vector_load_idx %gather3A_592[%add3A_588] : memref<512xi32, #tpu.memory_space<vmem>>[vector<16xi32>], vector<16xi32>,
      %add3A_594 = arith.constant 65 : i32
      %add3A_595 = vector.broadcast %add3A_594 : i32 to vector<16xi32>
      %add3A_596 = arith.addi %mul3A_9, %add3A_595 : vector<16xi32>
      %gather3A_597 = arith.constant 1 : i32
      %gather3A_598 = arith.constant 0 : i32
      %gather3A_599 = tpu.memref_slice %arg5[%gather3A_597, %gather3A_598] : memref<2x512xi32, #tpu.memory_space<vmem>> -> memref<1x512xi32, #tpu.memory_space<vmem>>
      %gather3A_600 = tpu.memref_squeeze %gather3A_599 : memref<1x512xi32, #tpu.memory_space<vmem>> -> memref<512xi32, #tpu.memory_space<vmem>>
      %gather3A_601 = tpu.vector_load_idx %gather3A_600[%add3A_596] : memref<512xi32, #tpu.memory_space<vmem>>[vector<16xi32>], vector<16xi32>,
      %add3A_602 = arith.constant 66 : i32
      %add3A_603 = vector.broadcast %add3A_602 : i32 to vector<16xi32>
      %add3A_604 = arith.addi %mul3A_9, %add3A_603 : vector<16xi32>
      %gather3A_605 = arith.constant 1 : i32
      %gather3A_606 = arith.constant 0 : i32
      %gather3A_607 = tpu.memref_slice %arg5[%gather3A_605, %gather3A_606] : memref<2x512xi32, #tpu.memory_space<vmem>> -> memref<1x512xi32, #tpu.memory_space<vmem>>
      %gather3A_608 = tpu.memref_squeeze %gather3A_607 : memref<1x512xi32, #tpu.memory_space<vmem>> -> memref<512xi32, #tpu.memory_space<vmem>>
      %gather3A_609 = tpu.vector_load_idx %gather3A_608[%add3A_604] : memref<512xi32, #tpu.memory_space<vmem>>[vector<16xi32>], vector<16xi32>,
      %add3A_610 = arith.constant 67 : i32
      %add3A_611 = vector.broadcast %add3A_610 : i32 to vector<16xi32>
      %add3A_612 = arith.addi %mul3A_9, %add3A_611 : vector<16xi32>
      %gather3A_613 = arith.constant 1 : i32
      %gather3A_614 = arith.constant 0 : i32
      %gather3A_615 = tpu.memref_slice %arg5[%gather3A_613, %gather3A_614] : memref<2x512xi32, #tpu.memory_space<vmem>> -> memref<1x512xi32, #tpu.memory_space<vmem>>
      %gather3A_616 = tpu.memref_squeeze %gather3A_615 : memref<1x512xi32, #tpu.memory_space<vmem>> -> memref<512xi32, #tpu.memory_space<vmem>>
      %gather3A_617 = tpu.vector_load_idx %gather3A_616[%add3A_612] : memref<512xi32, #tpu.memory_space<vmem>>[vector<16xi32>], vector<16xi32>,
      %mul3A_618 = arith.constant 5 : i32
      %mul3A_619 = vector.broadcast %mul3A_618 : i32 to vector<16xi32>
      %mul3A_620 = arith.muli %gather3A_593, %mul3A_619 : vector<16xi32>
      %add3A_621 = arith.addi %mul3A_620, %gather3A_601 : vector<16xi32>
      %mul3A_622 = arith.constant 5 : i32
      %mul3A_623 = vector.broadcast %mul3A_622 : i32 to vector<16xi32>
      %mul3A_624 = arith.muli %add3A_621, %mul3A_623 : vector<16xi32>
      %add3A_625 = arith.addi %mul3A_624, %gather3A_609 : vector<16xi32>
      %mul3A_626 = arith.constant 5 : i32
      %mul3A_627 = vector.broadcast %mul3A_626 : i32 to vector<16xi32>
      %mul3A_628 = arith.muli %add3A_625, %mul3A_627 : vector<16xi32>
      %add3A_629 = arith.addi %mul3A_628, %gather3A_617 : vector<16xi32>
      %swap3A_630 = arith.constant 1 : i32
      %swap3A_631 = arith.index_cast %swap3A_630 : i32 to index
      %swap3A_632 = arith.constant 16 : index
      %swap3A_633 = tpu.vector_load %arg6[%swap3A_631, %swap3A_632] {strides = array<i32>} : memref<2x128xi32, #tpu.memory_space<vmem>>, vector<16xi32>,
      tpu.vector_store %arg6[%swap3A_631, %swap3A_632], %add3A_629 {strides = array<i32>} : memref<2x128xi32, #tpu.memory_space<vmem>>, vector<16xi32>,
      %add3A_634 = arith.constant 128 : i32
      %add3A_635 = vector.broadcast %add3A_634 : i32 to vector<16xi32>
      %add3A_636 = arith.addi %mul3A_9, %add3A_635 : vector<16xi32>
      %gather3A_637 = arith.constant 1 : i32
      %gather3A_638 = arith.constant 0 : i32
      %gather3A_639 = tpu.memref_slice %arg5[%gather3A_637, %gather3A_638] : memref<2x512xi32, #tpu.memory_space<vmem>> -> memref<1x512xi32, #tpu.memory_space<vmem>>
      %gather3A_640 = tpu.memref_squeeze %gather3A_639 : memref<1x512xi32, #tpu.memory_space<vmem>> -> memref<512xi32, #tpu.memory_space<vmem>>
      %gather3A_641 = tpu.vector_load_idx %gather3A_640[%add3A_636] : memref<512xi32, #tpu.memory_space<vmem>>[vector<16xi32>], vector<16xi32>,
      %add3A_642 = arith.constant 129 : i32
      %add3A_643 = vector.broadcast %add3A_642 : i32 to vector<16xi32>
      %add3A_644 = arith.addi %mul3A_9, %add3A_643 : vector<16xi32>
      %gather3A_645 = arith.constant 1 : i32
      %gather3A_646 = arith.constant 0 : i32
      %gather3A_647 = tpu.memref_slice %arg5[%gather3A_645, %gather3A_646] : memref<2x512xi32, #tpu.memory_space<vmem>> -> memref<1x512xi32, #tpu.memory_space<vmem>>
      %gather3A_648 = tpu.memref_squeeze %gather3A_647 : memref<1x512xi32, #tpu.memory_space<vmem>> -> memref<512xi32, #tpu.memory_space<vmem>>
      %gather3A_649 = tpu.vector_load_idx %gather3A_648[%add3A_644] : memref<512xi32, #tpu.memory_space<vmem>>[vector<16xi32>], vector<16xi32>,
      %add3A_650 = arith.constant 130 : i32
      %add3A_651 = vector.broadcast %add3A_650 : i32 to vector<16xi32>
      %add3A_652 = arith.addi %mul3A_9, %add3A_651 : vector<16xi32>
      %gather3A_653 = arith.constant 1 : i32
      %gather3A_654 = arith.constant 0 : i32
      %gather3A_655 = tpu.memref_slice %arg5[%gather3A_653, %gather3A_654] : memref<2x512xi32, #tpu.memory_space<vmem>> -> memref<1x512xi32, #tpu.memory_space<vmem>>
      %gather3A_656 = tpu.memref_squeeze %gather3A_655 : memref<1x512xi32, #tpu.memory_space<vmem>> -> memref<512xi32, #tpu.memory_space<vmem>>
      %gather3A_657 = tpu.vector_load_idx %gather3A_656[%add3A_652] : memref<512xi32, #tpu.memory_space<vmem>>[vector<16xi32>], vector<16xi32>,
      %add3A_658 = arith.constant 131 : i32
      %add3A_659 = vector.broadcast %add3A_658 : i32 to vector<16xi32>
      %add3A_660 = arith.addi %mul3A_9, %add3A_659 : vector<16xi32>
      %gather3A_661 = arith.constant 1 : i32
      %gather3A_662 = arith.constant 0 : i32
      %gather3A_663 = tpu.memref_slice %arg5[%gather3A_661, %gather3A_662] : memref<2x512xi32, #tpu.memory_space<vmem>> -> memref<1x512xi32, #tpu.memory_space<vmem>>
      %gather3A_664 = tpu.memref_squeeze %gather3A_663 : memref<1x512xi32, #tpu.memory_space<vmem>> -> memref<512xi32, #tpu.memory_space<vmem>>
      %gather3A_665 = tpu.vector_load_idx %gather3A_664[%add3A_660] : memref<512xi32, #tpu.memory_space<vmem>>[vector<16xi32>], vector<16xi32>,
      %mul3A_666 = arith.constant 5 : i32
      %mul3A_667 = vector.broadcast %mul3A_666 : i32 to vector<16xi32>
      %mul3A_668 = arith.muli %gather3A_641, %mul3A_667 : vector<16xi32>
      %add3A_669 = arith.addi %mul3A_668, %gather3A_649 : vector<16xi32>
      %mul3A_670 = arith.constant 5 : i32
      %mul3A_671 = vector.broadcast %mul3A_670 : i32 to vector<16xi32>
      %mul3A_672 = arith.muli %add3A_669, %mul3A_671 : vector<16xi32>
      %add3A_673 = arith.addi %mul3A_672, %gather3A_657 : vector<16xi32>
      %mul3A_674 = arith.constant 5 : i32
      %mul3A_675 = vector.broadcast %mul3A_674 : i32 to vector<16xi32>
      %mul3A_676 = arith.muli %add3A_673, %mul3A_675 : vector<16xi32>
      %add3A_677 = arith.addi %mul3A_676, %gather3A_665 : vector<16xi32>
      %swap3A_678 = arith.constant 1 : i32
      %swap3A_679 = arith.index_cast %swap3A_678 : i32 to index
      %swap3A_680 = arith.constant 32 : index
      %swap3A_681 = tpu.vector_load %arg6[%swap3A_679, %swap3A_680] {strides = array<i32>} : memref<2x128xi32, #tpu.memory_space<vmem>>, vector<16xi32>,
      tpu.vector_store %arg6[%swap3A_679, %swap3A_680], %add3A_677 {strides = array<i32>} : memref<2x128xi32, #tpu.memory_space<vmem>>, vector<16xi32>,
      %add3A_682 = arith.constant 192 : i32
      %add3A_683 = vector.broadcast %add3A_682 : i32 to vector<16xi32>
      %add3A_684 = arith.addi %mul3A_9, %add3A_683 : vector<16xi32>
      %gather3A_685 = arith.constant 1 : i32
      %gather3A_686 = arith.constant 0 : i32
      %gather3A_687 = tpu.memref_slice %arg5[%gather3A_685, %gather3A_686] : memref<2x512xi32, #tpu.memory_space<vmem>> -> memref<1x512xi32, #tpu.memory_space<vmem>>
      %gather3A_688 = tpu.memref_squeeze %gather3A_687 : memref<1x512xi32, #tpu.memory_space<vmem>> -> memref<512xi32, #tpu.memory_space<vmem>>
      %gather3A_689 = tpu.vector_load_idx %gather3A_688[%add3A_684] : memref<512xi32, #tpu.memory_space<vmem>>[vector<16xi32>], vector<16xi32>,
      %add3A_690 = arith.constant 193 : i32
      %add3A_691 = vector.broadcast %add3A_690 : i32 to vector<16xi32>
      %add3A_692 = arith.addi %mul3A_9, %add3A_691 : vector<16xi32>
      %gather3A_693 = arith.constant 1 : i32
      %gather3A_694 = arith.constant 0 : i32
      %gather3A_695 = tpu.memref_slice %arg5[%gather3A_693, %gather3A_694] : memref<2x512xi32, #tpu.memory_space<vmem>> -> memref<1x512xi32, #tpu.memory_space<vmem>>
      %gather3A_696 = tpu.memref_squeeze %gather3A_695 : memref<1x512xi32, #tpu.memory_space<vmem>> -> memref<512xi32, #tpu.memory_space<vmem>>
      %gather3A_697 = tpu.vector_load_idx %gather3A_696[%add3A_692] : memref<512xi32, #tpu.memory_space<vmem>>[vector<16xi32>], vector<16xi32>,
      %add3A_698 = arith.constant 194 : i32
      %add3A_699 = vector.broadcast %add3A_698 : i32 to vector<16xi32>
      %add3A_700 = arith.addi %mul3A_9, %add3A_699 : vector<16xi32>
      %gather3A_701 = arith.constant 1 : i32
      %gather3A_702 = arith.constant 0 : i32
      %gather3A_703 = tpu.memref_slice %arg5[%gather3A_701, %gather3A_702] : memref<2x512xi32, #tpu.memory_space<vmem>> -> memref<1x512xi32, #tpu.memory_space<vmem>>
      %gather3A_704 = tpu.memref_squeeze %gather3A_703 : memref<1x512xi32, #tpu.memory_space<vmem>> -> memref<512xi32, #tpu.memory_space<vmem>>
      %gather3A_705 = tpu.vector_load_idx %gather3A_704[%add3A_700] : memref<512xi32, #tpu.memory_space<vmem>>[vector<16xi32>], vector<16xi32>,
      %add3A_706 = arith.constant 195 : i32
      %add3A_707 = vector.broadcast %add3A_706 : i32 to vector<16xi32>
      %add3A_708 = arith.addi %mul3A_9, %add3A_707 : vector<16xi32>
      %gather3A_709 = arith.constant 1 : i32
      %gather3A_710 = arith.constant 0 : i32
      %gather3A_711 = tpu.memref_slice %arg5[%gather3A_709, %gather3A_710] : memref<2x512xi32, #tpu.memory_space<vmem>> -> memref<1x512xi32, #tpu.memory_space<vmem>>
      %gather3A_712 = tpu.memref_squeeze %gather3A_711 : memref<1x512xi32, #tpu.memory_space<vmem>> -> memref<512xi32, #tpu.memory_space<vmem>>
      %gather3A_713 = tpu.vector_load_idx %gather3A_712[%add3A_708] : memref<512xi32, #tpu.memory_space<vmem>>[vector<16xi32>], vector<16xi32>,
      %mul3A_714 = arith.constant 5 : i32
      %mul3A_715 = vector.broadcast %mul3A_714 : i32 to vector<16xi32>
      %mul3A_716 = arith.muli %gather3A_689, %mul3A_715 : vector<16xi32>
      %add3A_717 = arith.addi %mul3A_716, %gather3A_697 : vector<16xi32>
      %mul3A_718 = arith.constant 5 : i32
      %mul3A_719 = vector.broadcast %mul3A_718 : i32 to vector<16xi32>
      %mul3A_720 = arith.muli %add3A_717, %mul3A_719 : vector<16xi32>
      %add3A_721 = arith.addi %mul3A_720, %gather3A_705 : vector<16xi32>
      %mul3A_722 = arith.constant 5 : i32
      %mul3A_723 = vector.broadcast %mul3A_722 : i32 to vector<16xi32>
      %mul3A_724 = arith.muli %add3A_721, %mul3A_723 : vector<16xi32>
      %add3A_725 = arith.addi %mul3A_724, %gather3A_713 : vector<16xi32>
      %swap3A_726 = arith.constant 1 : i32
      %swap3A_727 = arith.index_cast %swap3A_726 : i32 to index
      %swap3A_728 = arith.constant 48 : index
      %swap3A_729 = tpu.vector_load %arg6[%swap3A_727, %swap3A_728] {strides = array<i32>} : memref<2x128xi32, #tpu.memory_space<vmem>>, vector<16xi32>,
      tpu.vector_store %arg6[%swap3A_727, %swap3A_728], %add3A_725 {strides = array<i32>} : memref<2x128xi32, #tpu.memory_space<vmem>>, vector<16xi32>,
      %add3A_730 = arith.constant 256 : i32
      %add3A_731 = vector.broadcast %add3A_730 : i32 to vector<16xi32>
      %add3A_732 = arith.addi %mul3A_9, %add3A_731 : vector<16xi32>
      %gather3A_733 = arith.constant 1 : i32
      %gather3A_734 = arith.constant 0 : i32
      %gather3A_735 = tpu.memref_slice %arg5[%gather3A_733, %gather3A_734] : memref<2x512xi32, #tpu.memory_space<vmem>> -> memref<1x512xi32, #tpu.memory_space<vmem>>
      %gather3A_736 = tpu.memref_squeeze %gather3A_735 : memref<1x512xi32, #tpu.memory_space<vmem>> -> memref<512xi32, #tpu.memory_space<vmem>>
      %gather3A_737 = tpu.vector_load_idx %gather3A_736[%add3A_732] : memref<512xi32, #tpu.memory_space<vmem>>[vector<16xi32>], vector<16xi32>,
      %add3A_738 = arith.constant 257 : i32
      %add3A_739 = vector.broadcast %add3A_738 : i32 to vector<16xi32>
      %add3A_740 = arith.addi %mul3A_9, %add3A_739 : vector<16xi32>
      %gather3A_741 = arith.constant 1 : i32
      %gather3A_742 = arith.constant 0 : i32
      %gather3A_743 = tpu.memref_slice %arg5[%gather3A_741, %gather3A_742] : memref<2x512xi32, #tpu.memory_space<vmem>> -> memref<1x512xi32, #tpu.memory_space<vmem>>
      %gather3A_744 = tpu.memref_squeeze %gather3A_743 : memref<1x512xi32, #tpu.memory_space<vmem>> -> memref<512xi32, #tpu.memory_space<vmem>>
      %gather3A_745 = tpu.vector_load_idx %gather3A_744[%add3A_740] : memref<512xi32, #tpu.memory_space<vmem>>[vector<16xi32>], vector<16xi32>,
      %add3A_746 = arith.constant 258 : i32
      %add3A_747 = vector.broadcast %add3A_746 : i32 to vector<16xi32>
      %add3A_748 = arith.addi %mul3A_9, %add3A_747 : vector<16xi32>
      %gather3A_749 = arith.constant 1 : i32
      %gather3A_750 = arith.constant 0 : i32
      %gather3A_751 = tpu.memref_slice %arg5[%gather3A_749, %gather3A_750] : memref<2x512xi32, #tpu.memory_space<vmem>> -> memref<1x512xi32, #tpu.memory_space<vmem>>
      %gather3A_752 = tpu.memref_squeeze %gather3A_751 : memref<1x512xi32, #tpu.memory_space<vmem>> -> memref<512xi32, #tpu.memory_space<vmem>>
      %gather3A_753 = tpu.vector_load_idx %gather3A_752[%add3A_748] : memref<512xi32, #tpu.memory_space<vmem>>[vector<16xi32>], vector<16xi32>,
      %add3A_754 = arith.constant 259 : i32
      %add3A_755 = vector.broadcast %add3A_754 : i32 to vector<16xi32>
      %add3A_756 = arith.addi %mul3A_9, %add3A_755 : vector<16xi32>
      %gather3A_757 = arith.constant 1 : i32
      %gather3A_758 = arith.constant 0 : i32
      %gather3A_759 = tpu.memref_slice %arg5[%gather3A_757, %gather3A_758] : memref<2x512xi32, #tpu.memory_space<vmem>> -> memref<1x512xi32, #tpu.memory_space<vmem>>
      %gather3A_760 = tpu.memref_squeeze %gather3A_759 : memref<1x512xi32, #tpu.memory_space<vmem>> -> memref<512xi32, #tpu.memory_space<vmem>>
      %gather3A_761 = tpu.vector_load_idx %gather3A_760[%add3A_756] : memref<512xi32, #tpu.memory_space<vmem>>[vector<16xi32>], vector<16xi32>,
      %mul3A_762 = arith.constant 5 : i32
      %mul3A_763 = vector.broadcast %mul3A_762 : i32 to vector<16xi32>
      %mul3A_764 = arith.muli %gather3A_737, %mul3A_763 : vector<16xi32>
      %add3A_765 = arith.addi %mul3A_764, %gather3A_745 : vector<16xi32>
      %mul3A_766 = arith.constant 5 : i32
      %mul3A_767 = vector.broadcast %mul3A_766 : i32 to vector<16xi32>
      %mul3A_768 = arith.muli %add3A_765, %mul3A_767 : vector<16xi32>
      %add3A_769 = arith.addi %mul3A_768, %gather3A_753 : vector<16xi32>
      %mul3A_770 = arith.constant 5 : i32
      %mul3A_771 = vector.broadcast %mul3A_770 : i32 to vector<16xi32>
      %mul3A_772 = arith.muli %add3A_769, %mul3A_771 : vector<16xi32>
      %add3A_773 = arith.addi %mul3A_772, %gather3A_761 : vector<16xi32>
      %swap3A_774 = arith.constant 1 : i32
      %swap3A_775 = arith.index_cast %swap3A_774 : i32 to index
      %swap3A_776 = arith.constant 64 : index
      %swap3A_777 = tpu.vector_load %arg6[%swap3A_775, %swap3A_776] {strides = array<i32>} : memref<2x128xi32, #tpu.memory_space<vmem>>, vector<16xi32>,
      tpu.vector_store %arg6[%swap3A_775, %swap3A_776], %add3A_773 {strides = array<i32>} : memref<2x128xi32, #tpu.memory_space<vmem>>, vector<16xi32>,
      %add3A_778 = arith.constant 320 : i32
      %add3A_779 = vector.broadcast %add3A_778 : i32 to vector<16xi32>
      %add3A_780 = arith.addi %mul3A_9, %add3A_779 : vector<16xi32>
      %gather3A_781 = arith.constant 1 : i32
      %gather3A_782 = arith.constant 0 : i32
      %gather3A_783 = tpu.memref_slice %arg5[%gather3A_781, %gather3A_782] : memref<2x512xi32, #tpu.memory_space<vmem>> -> memref<1x512xi32, #tpu.memory_space<vmem>>
      %gather3A_784 = tpu.memref_squeeze %gather3A_783 : memref<1x512xi32, #tpu.memory_space<vmem>> -> memref<512xi32, #tpu.memory_space<vmem>>
      %gather3A_785 = tpu.vector_load_idx %gather3A_784[%add3A_780] : memref<512xi32, #tpu.memory_space<vmem>>[vector<16xi32>], vector<16xi32>,
      %add3A_786 = arith.constant 321 : i32
      %add3A_787 = vector.broadcast %add3A_786 : i32 to vector<16xi32>
      %add3A_788 = arith.addi %mul3A_9, %add3A_787 : vector<16xi32>
      %gather3A_789 = arith.constant 1 : i32
      %gather3A_790 = arith.constant 0 : i32
      %gather3A_791 = tpu.memref_slice %arg5[%gather3A_789, %gather3A_790] : memref<2x512xi32, #tpu.memory_space<vmem>> -> memref<1x512xi32, #tpu.memory_space<vmem>>
      %gather3A_792 = tpu.memref_squeeze %gather3A_791 : memref<1x512xi32, #tpu.memory_space<vmem>> -> memref<512xi32, #tpu.memory_space<vmem>>
      %gather3A_793 = tpu.vector_load_idx %gather3A_792[%add3A_788] : memref<512xi32, #tpu.memory_space<vmem>>[vector<16xi32>], vector<16xi32>,
      %add3A_794 = arith.constant 322 : i32
      %add3A_795 = vector.broadcast %add3A_794 : i32 to vector<16xi32>
      %add3A_796 = arith.addi %mul3A_9, %add3A_795 : vector<16xi32>
      %gather3A_797 = arith.constant 1 : i32
      %gather3A_798 = arith.constant 0 : i32
      %gather3A_799 = tpu.memref_slice %arg5[%gather3A_797, %gather3A_798] : memref<2x512xi32, #tpu.memory_space<vmem>> -> memref<1x512xi32, #tpu.memory_space<vmem>>
      %gather3A_800 = tpu.memref_squeeze %gather3A_799 : memref<1x512xi32, #tpu.memory_space<vmem>> -> memref<512xi32, #tpu.memory_space<vmem>>
      %gather3A_801 = tpu.vector_load_idx %gather3A_800[%add3A_796] : memref<512xi32, #tpu.memory_space<vmem>>[vector<16xi32>], vector<16xi32>,
      %add3A_802 = arith.constant 323 : i32
      %add3A_803 = vector.broadcast %add3A_802 : i32 to vector<16xi32>
      %add3A_804 = arith.addi %mul3A_9, %add3A_803 : vector<16xi32>
      %gather3A_805 = arith.constant 1 : i32
      %gather3A_806 = arith.constant 0 : i32
      %gather3A_807 = tpu.memref_slice %arg5[%gather3A_805, %gather3A_806] : memref<2x512xi32, #tpu.memory_space<vmem>> -> memref<1x512xi32, #tpu.memory_space<vmem>>
      %gather3A_808 = tpu.memref_squeeze %gather3A_807 : memref<1x512xi32, #tpu.memory_space<vmem>> -> memref<512xi32, #tpu.memory_space<vmem>>
      %gather3A_809 = tpu.vector_load_idx %gather3A_808[%add3A_804] : memref<512xi32, #tpu.memory_space<vmem>>[vector<16xi32>], vector<16xi32>,
      %mul3A_810 = arith.constant 5 : i32
      %mul3A_811 = vector.broadcast %mul3A_810 : i32 to vector<16xi32>
      %mul3A_812 = arith.muli %gather3A_785, %mul3A_811 : vector<16xi32>
      %add3A_813 = arith.addi %mul3A_812, %gather3A_793 : vector<16xi32>
      %mul3A_814 = arith.constant 5 : i32
      %mul3A_815 = vector.broadcast %mul3A_814 : i32 to vector<16xi32>
      %mul3A_816 = arith.muli %add3A_813, %mul3A_815 : vector<16xi32>
      %add3A_817 = arith.addi %mul3A_816, %gather3A_801 : vector<16xi32>
      %mul3A_818 = arith.constant 5 : i32
      %mul3A_819 = vector.broadcast %mul3A_818 : i32 to vector<16xi32>
      %mul3A_820 = arith.muli %add3A_817, %mul3A_819 : vector<16xi32>
      %add3A_821 = arith.addi %mul3A_820, %gather3A_809 : vector<16xi32>
      %swap3A_822 = arith.constant 1 : i32
      %swap3A_823 = arith.index_cast %swap3A_822 : i32 to index
      %swap3A_824 = arith.constant 80 : index
      %swap3A_825 = tpu.vector_load %arg6[%swap3A_823, %swap3A_824] {strides = array<i32>} : memref<2x128xi32, #tpu.memory_space<vmem>>, vector<16xi32>,
      tpu.vector_store %arg6[%swap3A_823, %swap3A_824], %add3A_821 {strides = array<i32>} : memref<2x128xi32, #tpu.memory_space<vmem>>, vector<16xi32>,
      %add3A_826 = arith.constant 384 : i32
      %add3A_827 = vector.broadcast %add3A_826 : i32 to vector<16xi32>
      %add3A_828 = arith.addi %mul3A_9, %add3A_827 : vector<16xi32>
      %gather3A_829 = arith.constant 1 : i32
      %gather3A_830 = arith.constant 0 : i32
      %gather3A_831 = tpu.memref_slice %arg5[%gather3A_829, %gather3A_830] : memref<2x512xi32, #tpu.memory_space<vmem>> -> memref<1x512xi32, #tpu.memory_space<vmem>>
      %gather3A_832 = tpu.memref_squeeze %gather3A_831 : memref<1x512xi32, #tpu.memory_space<vmem>> -> memref<512xi32, #tpu.memory_space<vmem>>
      %gather3A_833 = tpu.vector_load_idx %gather3A_832[%add3A_828] : memref<512xi32, #tpu.memory_space<vmem>>[vector<16xi32>], vector<16xi32>,
      %add3A_834 = arith.constant 385 : i32
      %add3A_835 = vector.broadcast %add3A_834 : i32 to vector<16xi32>
      %add3A_836 = arith.addi %mul3A_9, %add3A_835 : vector<16xi32>
      %gather3A_837 = arith.constant 1 : i32
      %gather3A_838 = arith.constant 0 : i32
      %gather3A_839 = tpu.memref_slice %arg5[%gather3A_837, %gather3A_838] : memref<2x512xi32, #tpu.memory_space<vmem>> -> memref<1x512xi32, #tpu.memory_space<vmem>>
      %gather3A_840 = tpu.memref_squeeze %gather3A_839 : memref<1x512xi32, #tpu.memory_space<vmem>> -> memref<512xi32, #tpu.memory_space<vmem>>
      %gather3A_841 = tpu.vector_load_idx %gather3A_840[%add3A_836] : memref<512xi32, #tpu.memory_space<vmem>>[vector<16xi32>], vector<16xi32>,
      %add3A_842 = arith.constant 386 : i32
      %add3A_843 = vector.broadcast %add3A_842 : i32 to vector<16xi32>
      %add3A_844 = arith.addi %mul3A_9, %add3A_843 : vector<16xi32>
      %gather3A_845 = arith.constant 1 : i32
      %gather3A_846 = arith.constant 0 : i32
      %gather3A_847 = tpu.memref_slice %arg5[%gather3A_845, %gather3A_846] : memref<2x512xi32, #tpu.memory_space<vmem>> -> memref<1x512xi32, #tpu.memory_space<vmem>>
      %gather3A_848 = tpu.memref_squeeze %gather3A_847 : memref<1x512xi32, #tpu.memory_space<vmem>> -> memref<512xi32, #tpu.memory_space<vmem>>
      %gather3A_849 = tpu.vector_load_idx %gather3A_848[%add3A_844] : memref<512xi32, #tpu.memory_space<vmem>>[vector<16xi32>], vector<16xi32>,
      %add3A_850 = arith.constant 387 : i32
      %add3A_851 = vector.broadcast %add3A_850 : i32 to vector<16xi32>
      %add3A_852 = arith.addi %mul3A_9, %add3A_851 : vector<16xi32>
      %gather3A_853 = arith.constant 1 : i32
      %gather3A_854 = arith.constant 0 : i32
      %gather3A_855 = tpu.memref_slice %arg5[%gather3A_853, %gather3A_854] : memref<2x512xi32, #tpu.memory_space<vmem>> -> memref<1x512xi32, #tpu.memory_space<vmem>>
      %gather3A_856 = tpu.memref_squeeze %gather3A_855 : memref<1x512xi32, #tpu.memory_space<vmem>> -> memref<512xi32, #tpu.memory_space<vmem>>
      %gather3A_857 = tpu.vector_load_idx %gather3A_856[%add3A_852] : memref<512xi32, #tpu.memory_space<vmem>>[vector<16xi32>], vector<16xi32>,
      %mul3A_858 = arith.constant 5 : i32
      %mul3A_859 = vector.broadcast %mul3A_858 : i32 to vector<16xi32>
      %mul3A_860 = arith.muli %gather3A_833, %mul3A_859 : vector<16xi32>
      %add3A_861 = arith.addi %mul3A_860, %gather3A_841 : vector<16xi32>
      %mul3A_862 = arith.constant 5 : i32
      %mul3A_863 = vector.broadcast %mul3A_862 : i32 to vector<16xi32>
      %mul3A_864 = arith.muli %add3A_861, %mul3A_863 : vector<16xi32>
      %add3A_865 = arith.addi %mul3A_864, %gather3A_849 : vector<16xi32>
      %mul3A_866 = arith.constant 5 : i32
      %mul3A_867 = vector.broadcast %mul3A_866 : i32 to vector<16xi32>
      %mul3A_868 = arith.muli %add3A_865, %mul3A_867 : vector<16xi32>
      %add3A_869 = arith.addi %mul3A_868, %gather3A_857 : vector<16xi32>
      %swap3A_870 = arith.constant 1 : i32
      %swap3A_871 = arith.index_cast %swap3A_870 : i32 to index
      %swap3A_872 = arith.constant 96 : index
      %swap3A_873 = tpu.vector_load %arg6[%swap3A_871, %swap3A_872] {strides = array<i32>} : memref<2x128xi32, #tpu.memory_space<vmem>>, vector<16xi32>,
      tpu.vector_store %arg6[%swap3A_871, %swap3A_872], %add3A_869 {strides = array<i32>} : memref<2x128xi32, #tpu.memory_space<vmem>>, vector<16xi32>,
      %add3A_874 = arith.constant 448 : i32
      %add3A_875 = vector.broadcast %add3A_874 : i32 to vector<16xi32>
      %add3A_876 = arith.addi %mul3A_9, %add3A_875 : vector<16xi32>
      %gather3A_877 = arith.constant 1 : i32
      %gather3A_878 = arith.constant 0 : i32
      %gather3A_879 = tpu.memref_slice %arg5[%gather3A_877, %gather3A_878] : memref<2x512xi32, #tpu.memory_space<vmem>> -> memref<1x512xi32, #tpu.memory_space<vmem>>
      %gather3A_880 = tpu.memref_squeeze %gather3A_879 : memref<1x512xi32, #tpu.memory_space<vmem>> -> memref<512xi32, #tpu.memory_space<vmem>>
      %gather3A_881 = tpu.vector_load_idx %gather3A_880[%add3A_876] : memref<512xi32, #tpu.memory_space<vmem>>[vector<16xi32>], vector<16xi32>,
      %add3A_882 = arith.constant 449 : i32
      %add3A_883 = vector.broadcast %add3A_882 : i32 to vector<16xi32>
      %add3A_884 = arith.addi %mul3A_9, %add3A_883 : vector<16xi32>
      %gather3A_885 = arith.constant 1 : i32
      %gather3A_886 = arith.constant 0 : i32
      %gather3A_887 = tpu.memref_slice %arg5[%gather3A_885, %gather3A_886] : memref<2x512xi32, #tpu.memory_space<vmem>> -> memref<1x512xi32, #tpu.memory_space<vmem>>
      %gather3A_888 = tpu.memref_squeeze %gather3A_887 : memref<1x512xi32, #tpu.memory_space<vmem>> -> memref<512xi32, #tpu.memory_space<vmem>>
      %gather3A_889 = tpu.vector_load_idx %gather3A_888[%add3A_884] : memref<512xi32, #tpu.memory_space<vmem>>[vector<16xi32>], vector<16xi32>,
      %add3A_890 = arith.constant 450 : i32
      %add3A_891 = vector.broadcast %add3A_890 : i32 to vector<16xi32>
      %add3A_892 = arith.addi %mul3A_9, %add3A_891 : vector<16xi32>
      %gather3A_893 = arith.constant 1 : i32
      %gather3A_894 = arith.constant 0 : i32
      %gather3A_895 = tpu.memref_slice %arg5[%gather3A_893, %gather3A_894] : memref<2x512xi32, #tpu.memory_space<vmem>> -> memref<1x512xi32, #tpu.memory_space<vmem>>
      %gather3A_896 = tpu.memref_squeeze %gather3A_895 : memref<1x512xi32, #tpu.memory_space<vmem>> -> memref<512xi32, #tpu.memory_space<vmem>>
      %gather3A_897 = tpu.vector_load_idx %gather3A_896[%add3A_892] : memref<512xi32, #tpu.memory_space<vmem>>[vector<16xi32>], vector<16xi32>,
      %add3A_898 = arith.constant 451 : i32
      %add3A_899 = vector.broadcast %add3A_898 : i32 to vector<16xi32>
      %add3A_900 = arith.addi %mul3A_9, %add3A_899 : vector<16xi32>
      %gather3A_901 = arith.constant 1 : i32
      %gather3A_902 = arith.constant 0 : i32
      %gather3A_903 = tpu.memref_slice %arg5[%gather3A_901, %gather3A_902] : memref<2x512xi32, #tpu.memory_space<vmem>> -> memref<1x512xi32, #tpu.memory_space<vmem>>
      %gather3A_904 = tpu.memref_squeeze %gather3A_903 : memref<1x512xi32, #tpu.memory_space<vmem>> -> memref<512xi32, #tpu.memory_space<vmem>>
      %gather3A_905 = tpu.vector_load_idx %gather3A_904[%add3A_900] : memref<512xi32, #tpu.memory_space<vmem>>[vector<16xi32>], vector<16xi32>,
      %mul3A_906 = arith.constant 5 : i32
      %mul3A_907 = vector.broadcast %mul3A_906 : i32 to vector<16xi32>
      %mul3A_908 = arith.muli %gather3A_881, %mul3A_907 : vector<16xi32>
      %add3A_909 = arith.addi %mul3A_908, %gather3A_889 : vector<16xi32>
      %mul3A_910 = arith.constant 5 : i32
      %mul3A_911 = vector.broadcast %mul3A_910 : i32 to vector<16xi32>
      %mul3A_912 = arith.muli %add3A_909, %mul3A_911 : vector<16xi32>
      %add3A_913 = arith.addi %mul3A_912, %gather3A_897 : vector<16xi32>
      %mul3A_914 = arith.constant 5 : i32
      %mul3A_915 = vector.broadcast %mul3A_914 : i32 to vector<16xi32>
      %mul3A_916 = arith.muli %add3A_913, %mul3A_915 : vector<16xi32>
      %add3A_917 = arith.addi %mul3A_916, %gather3A_905 : vector<16xi32>
      %swap3A_918 = arith.constant 1 : i32
      %swap3A_919 = arith.index_cast %swap3A_918 : i32 to index
      %swap3A_920 = arith.constant 112 : index
      %swap3A_921 = tpu.vector_load %arg6[%swap3A_919, %swap3A_920] {strides = array<i32>} : memref<2x128xi32, #tpu.memory_space<vmem>>, vector<16xi32>,
      tpu.vector_store %arg6[%swap3A_919, %swap3A_920], %add3A_917 {strides = array<i32>} : memref<2x128xi32, #tpu.memory_space<vmem>>, vector<16xi32>,
      %dma_start3A_922 = arith.constant 1 : i32
      %dma_start3A_923 = arith.constant 1 : i32
      %dma_start3A_924 = arith.constant 0 : i32
      %dma_start3A_925 = arith.constant 0 : i32
      %dma_start3A_926 = tpu.memref_slice %arg7[%dma_start3A_923, %dma_start3A_924, %dma_start3A_925] : memref<2x128x256xf32, #tpu.memory_space<vmem>> -> memref<1x128x256xf32, #tpu.memory_space<vmem>>
      %dma_start3A_927 = tpu.memref_squeeze %dma_start3A_926 : memref<1x128x256xf32, #tpu.memory_space<vmem>> -> memref<128x256xf32, #tpu.memory_space<vmem>>
      %dma_start3A_928 = arith.constant 0 : i32
      %dma_start3A_929 = tpu.memref_slice %arg6[%dma_start3A_922, %dma_start3A_928] : memref<2x128xi32, #tpu.memory_space<vmem>> -> memref<1x128xi32, #tpu.memory_space<vmem>>
      %dma_start3A_930 = tpu.memref_squeeze %dma_start3A_929 : memref<1x128xi32, #tpu.memory_space<vmem>> -> memref<128xi32, #tpu.memory_space<vmem>>
      %dma_start3A_931 = arith.constant 0 : i32
      %dma_start3A_932 = arith.constant 0 : i32
      %dma_start3A_933 = tpu.memref_slice %arg8[%dma_start3A_931, %dma_start3A_932] : memref<625x256xf32, #tpu.memory_space<vmem_shared>> -> memref<625x256xf32, #tpu.memory_space<vmem_shared>>
      tpu.enqueue_indirect_dma source(%dma_start3A_933 : memref<625x256xf32, #tpu.memory_space<vmem_shared>>) target(%dma_start3A_927 : memref<128x256xf32, #tpu.memory_space<vmem>>) offsets(%dma_start3A_930 : memref<128xi32, #tpu.memory_space<vmem>>) semaphore(%arg12 : memref<!tpu.dma_semaphore, #tpu.memory_space<semaphore_mem>>)
      %dma_wait3A_934 = arith.constant 1 : i32
      %dma_wait3A_935 = arith.constant 1 : i32
      %dma_wait3A_936 = arith.constant 0 : i32
      %dma_wait3A_937 = arith.constant 0 : i32
      %dma_wait3A_938 = tpu.memref_slice %arg7[%dma_wait3A_935, %dma_wait3A_936, %dma_wait3A_937] : memref<2x128x256xf32, #tpu.memory_space<vmem>> -> memref<1x128x256xf32, #tpu.memory_space<vmem>>
      %dma_wait3A_939 = tpu.memref_squeeze %dma_wait3A_938 : memref<1x128x256xf32, #tpu.memory_space<vmem>> -> memref<128x256xf32, #tpu.memory_space<vmem>>
      %dma_wait3A_940 = arith.constant 0 : i32
      %dma_wait3A_941 = tpu.memref_slice %arg6[%dma_wait3A_934, %dma_wait3A_940] : memref<2x128xi32, #tpu.memory_space<vmem>> -> memref<1x128xi32, #tpu.memory_space<vmem>>
      %dma_wait3A_942 = tpu.memref_squeeze %dma_wait3A_941 : memref<1x128xi32, #tpu.memory_space<vmem>> -> memref<128xi32, #tpu.memory_space<vmem>>
      %dma_wait3A_943 = arith.constant 0 : i32
      %dma_wait3A_944 = arith.constant 0 : i32
      %dma_wait3A_945 = tpu.memref_slice %arg8[%dma_wait3A_943, %dma_wait3A_944] : memref<625x256xf32, #tpu.memory_space<vmem_shared>> -> memref<625x256xf32, #tpu.memory_space<vmem_shared>>
      tpu.wait_indirect_dma semaphore(%arg12 : memref<!tpu.dma_semaphore, #tpu.memory_space<semaphore_mem>>) src(%dma_wait3A_945 : memref<625x256xf32, #tpu.memory_space<vmem_shared>>) dst(%dma_wait3A_939 : memref<128x256xf32, #tpu.memory_space<vmem>>)
      %dma_start3A_946 = arith.constant 1 : i32
      %dma_start3A_947 = arith.constant 0 : i32
      %dma_start3A_948 = arith.constant 0 : i32
      %dma_start3A_949 = tpu.memref_slice %arg7[%dma_start3A_946, %dma_start3A_947, %dma_start3A_948] : memref<2x128x256xf32, #tpu.memory_space<vmem>> -> memref<1x128x256xf32, #tpu.memory_space<vmem>>
      %dma_start3A_950 = tpu.memref_squeeze %dma_start3A_949 : memref<1x128x256xf32, #tpu.memory_space<vmem>> -> memref<128x256xf32, #tpu.memory_space<vmem>>
      %dma_start3A_951 = arith.constant 0 : i32
      %dma_start3A_952 = tpu.memref_slice %arg4[%add3A_523, %dma_start3A_951] : memref<819200x256xf32, #tpu.memory_space<hbm>> -> memref<128x256xf32, #tpu.memory_space<hbm>>
      %dma_start3A_953 = arith.constant 0 : i32
      %dma_start3A_954 = tpu.memref_slice %arg4[%add3A_523, %dma_start3A_953] : memref<819200x256xf32, #tpu.memory_space<hbm>> -> memref<128x256xf32, #tpu.memory_space<hbm>>
      %dma_start3A_955 = arith.constant 0 : i32
      %dma_start3A_956 = arith.constant 0 : i32
      %dma_start3A_957 = tpu.memref_slice %arg7[%dma_start3A_946, %dma_start3A_955, %dma_start3A_956] : memref<2x128x256xf32, #tpu.memory_space<vmem>> -> memref<1x128x256xf32, #tpu.memory_space<vmem>>
      %dma_start3A_958 = tpu.memref_squeeze %dma_start3A_957 : memref<1x128x256xf32, #tpu.memory_space<vmem>> -> memref<128x256xf32, #tpu.memory_space<vmem>>
      tpu.enqueue_dma source(%dma_start3A_958 : memref<128x256xf32, #tpu.memory_space<vmem>>) target(%dma_start3A_954 : memref<128x256xf32, #tpu.memory_space<hbm>>) target_semaphore(%arg14 : memref<!tpu.dma_semaphore, #tpu.memory_space<semaphore_mem>>)
      %add3A_959 = arith.constant 2 : i32
      %add3A_960 = arith.addi %add3A_517, %add3A_959 : i32
      %lt3A_961 = arith.constant 200 : i32
      %lt3A_962 = arith.cmpi slt, %add3A_960, %lt3A_961 : i32
      %convert_element_type3A_963 = arith.extui %lt3A_962 : i1 to i32
      %cond3A_964 = arith.constant 0 : i32
      %cond3A_965 = arith.cmpi ne, %convert_element_type3A_963, %cond3A_964 : i32
      scf.if %cond3A_965 {
        %add3A_966 = arith.constant 1024 : i32
        %add3A_967 = arith.addi %add3A_520, %add3A_966 : i32
        %dma_start3A_968 = arith.constant 1 : i32
        %dma_start3A_969 = arith.constant 0 : i32
        %dma_start3A_970 = tpu.memref_slice %arg5[%dma_start3A_968, %dma_start3A_969] : memref<2x512xi32, #tpu.memory_space<vmem>> -> memref<1x512xi32, #tpu.memory_space<vmem>>
        %dma_start3A_971 = tpu.memref_squeeze %dma_start3A_970 : memref<1x512xi32, #tpu.memory_space<vmem>> -> memref<512xi32, #tpu.memory_space<vmem>>
        %dma_start3A_972 = tpu.memref_slice %arg3[%add3A_967] : memref<3276800xi32, #tpu.memory_space<hbm>> -> memref<512xi32, #tpu.memory_space<hbm>>
        %dma_start3A_973 = arith.constant 0 : i32
        %dma_start3A_974 = tpu.memref_slice %arg5[%dma_start3A_968, %dma_start3A_973] : memref<2x512xi32, #tpu.memory_space<vmem>> -> memref<1x512xi32, #tpu.memory_space<vmem>>
        %dma_start3A_975 = tpu.memref_squeeze %dma_start3A_974 : memref<1x512xi32, #tpu.memory_space<vmem>> -> memref<512xi32, #tpu.memory_space<vmem>>
        %dma_start3A_976 = tpu.memref_slice %arg3[%add3A_967] : memref<3276800xi32, #tpu.memory_space<hbm>> -> memref<512xi32, #tpu.memory_space<hbm>>
        tpu.enqueue_dma source(%dma_start3A_976 : memref<512xi32, #tpu.memory_space<hbm>>) target(%dma_start3A_975 : memref<512xi32, #tpu.memory_space<vmem>>) target_semaphore(%arg10 : memref<!tpu.dma_semaphore, #tpu.memory_space<semaphore_mem>>)
      } else {
      }
    }
    %scan3A_35 = arith.constant 100 : i32
    %add3A_36 = arith.constant 25344 : i32
    %add3A_37 = arith.addi %mul3A_4, %add3A_36 : i32
    %dma_wait3A = arith.constant 0 : i32
    %dma_wait3A_38 = arith.constant 0 : i32
    %dma_wait3A_39 = arith.constant 0 : i32
    %dma_wait3A_40 = tpu.memref_slice %arg7[%dma_wait3A, %dma_wait3A_38, %dma_wait3A_39] : memref<2x128x256xf32, #tpu.memory_space<vmem>> -> memref<1x128x256xf32, #tpu.memory_space<vmem>>
    %dma_wait3A_41 = tpu.memref_squeeze %dma_wait3A_40 : memref<1x128x256xf32, #tpu.memory_space<vmem>> -> memref<128x256xf32, #tpu.memory_space<vmem>>
    %dma_wait3A_42 = arith.constant 0 : i32
    %dma_wait3A_43 = tpu.memref_slice %arg4[%add3A_37, %dma_wait3A_42] : memref<819200x256xf32, #tpu.memory_space<hbm>> -> memref<128x256xf32, #tpu.memory_space<hbm>>
    %dma_wait3A_44 = arith.constant 0 : i32
    %dma_wait3A_45 = tpu.memref_slice %arg4[%add3A_37, %dma_wait3A_44] : memref<819200x256xf32, #tpu.memory_space<hbm>> -> memref<128x256xf32, #tpu.memory_space<hbm>>
    %dma_wait3A_46 = arith.constant 0 : i32
    %dma_wait3A_47 = arith.constant 0 : i32
    %dma_wait3A_48 = tpu.memref_slice %arg7[%dma_wait3A, %dma_wait3A_46, %dma_wait3A_47] : memref<2x128x256xf32, #tpu.memory_space<vmem>> -> memref<1x128x256xf32, #tpu.memory_space<vmem>>
    %dma_wait3A_49 = tpu.memref_squeeze %dma_wait3A_48 : memref<1x128x256xf32, #tpu.memory_space<vmem>> -> memref<128x256xf32, #tpu.memory_space<vmem>>
    tpu.wait_dma2 semaphore(%arg13 : memref<!tpu.dma_semaphore, #tpu.memory_space<semaphore_mem>>) src(%dma_wait3A_49 : memref<128x256xf32, #tpu.memory_space<vmem>>) dst(%dma_wait3A_45 : memref<128x256xf32, #tpu.memory_space<hbm>>)
    %add3A_50 = arith.constant 25472 : i32
    %add3A_51 = arith.addi %mul3A_4, %add3A_50 : i32
    %dma_wait3A_52 = arith.constant 1 : i32
    %dma_wait3A_53 = arith.constant 0 : i32
    %dma_wait3A_54 = arith.constant 0 : i32
    %dma_wait3A_55 = tpu.memref_slice %arg7[%dma_wait3A_52, %dma_wait3A_53, %dma_wait3A_54] : memref<2x128x256xf32, #tpu.memory_space<vmem>> -> memref<1x128x256xf32, #tpu.memory_space<vmem>>
    %dma_wait3A_56 = tpu.memref_squeeze %dma_wait3A_55 : memref<1x128x256xf32, #tpu.memory_space<vmem>> -> memref<128x256xf32, #tpu.memory_space<vmem>>
    %dma_wait3A_57 = arith.constant 0 : i32
    %dma_wait3A_58 = tpu.memref_slice %arg4[%add3A_51, %dma_wait3A_57] : memref<819200x256xf32, #tpu.memory_space<hbm>> -> memref<128x256xf32, #tpu.memory_space<hbm>>
    %dma_wait3A_59 = arith.constant 0 : i32
    %dma_wait3A_60 = tpu.memref_slice %arg4[%add3A_51, %dma_wait3A_59] : memref<819200x256xf32, #tpu.memory_space<hbm>> -> memref<128x256xf32, #tpu.memory_space<hbm>>
    %dma_wait3A_61 = arith.constant 0 : i32
    %dma_wait3A_62 = arith.constant 0 : i32
    %dma_wait3A_63 = tpu.memref_slice %arg7[%dma_wait3A_52, %dma_wait3A_61, %dma_wait3A_62] : memref<2x128x256xf32, #tpu.memory_space<vmem>> -> memref<1x128x256xf32, #tpu.memory_space<vmem>>
    %dma_wait3A_64 = tpu.memref_squeeze %dma_wait3A_63 : memref<1x128x256xf32, #tpu.memory_space<vmem>> -> memref<128x256xf32, #tpu.memory_space<vmem>>
    tpu.wait_dma2 semaphore(%arg14 : memref<!tpu.dma_semaphore, #tpu.memory_space<semaphore_mem>>) src(%dma_wait3A_64 : memref<128x256xf32, #tpu.memory_space<vmem>>) dst(%dma_wait3A_60 : memref<128x256xf32, #tpu.memory_space<hbm>>)
    return
  }
}

</mosaic_0001>

<sc_bundles>
// kernel: _sc_embed.3.cloned.1.call-start
scs
__scs_entry_jumppad:
0x0: {  	(pc) =	sbr.rel $0x88, $3  }
0x1: {  	(tag) =	ssettag $0x0;
	lr =	simm.s32 $0x1  }
0x2: {  	[smem:$0x3F9F] =	sst lr;
	_ =	strace $0xD0000000  }
0x3: {  	_ = 	snop  }
0x4: {  	_ = 	snop  }
0x5: {  	_ = 	snop  }
0x6: {  	_ = 	snop  }
0x7: {  	_ = 	snop  }
__scs_overlays_trampoline_lowered:
0x8: {  	[smem:$0x3FAE] =	sst s0  }
0x9: {  	[smem:$0x3FAF] =	sst s1  }
0xa: {  	[smem:$0x3FB0] =	sst s2  }
0xb: {  	[smem:$0x3FB1] =	sst s3  }
0xc: {  	[smem:$0x3FB2] =	sst s4  }
0xd: {  	[smem:$0x3FB3] =	sst s5  }
0xe: {  	[smem:$0x3FB4] =	sst s6  }
0xf: {  	[smem:$0x3FB5] =	sst s7  }
0x10: {  	[smem:$0x3FB6] =	sst s8  }
0x11: {  	[smem:$0x3FB7] =	sst s9;
	s0 =	simm.s32 @!p0 $0x0  }
0x12: {  	s1 =	sld [smem:$0x3F9D];
	s0 =	simm.s32 @p0 $0x1  }
0x13: {  	[smem:$0x3FB8] =	sst s0;
	s0 =	simm.s32 @!p1 $0x0  }
0x14: {  	s2 =	sld [smem:$0x3F9C];
	s0 =	simm.s32 @p1 $0x1  }
0x15: {  	[smem:$0x3FB9] =	sst s0;
	s0 =	simm.s32 @!p2 $0x0  }
0x16: {  	s3 =	sld [smem:$0x3FDB];
	s0 =	simm.s32 @p2 $0x1  }
0x17: {  	s4 =	simm.s32 $0x1BF5;
	[smem:$0x3FBB] =	sst s0  }
0x18: {  	s0 =	sld [smem:$0x3F9E];
	_ =	swait.ge [sflag:s4], $0x0  }
0x19: {  	s7 =	sld [smem:$0x3F9F]  }
0x1a: {  	s8 =	sadd.s32 $0xFFFFE003, lr  }
0x1b: {  	s9 =	sadd.s32 $0xFFFFFEF7, lr;
	s5 =	simm.s32 $0xFFFFFFFF;
	p2 =	slt.u32 s8, $0xFFFFF086  }
0x1c: {  	p1 =	slt.u32 s9, $0xF7A;
	s5 =	simm.s32 @!p2 $0x0  }
0x1d: {  	s5 =	simm.s32 @p1 $0x1;
	p0 =	seq.s32 s7, s2  }
0x1e: {  	s7 =	smul.u32 @!p0 $0xF7A, s2;
	p2 =	seq.s32 @!p0 s5, $0x0  }
0x1f: {  	s9 =	smul.u32 $0xF7A, s1;
	s8 =	simm.s32 @!p0 $0x1BF5;
	p2 =	por !p2, p0  }
0x20: {  	[sflag:s8] =	ssyncset.s32 @!p0 $0xFFFFF086;
	s6 =	sadd.s32 @!p0 s3, s7;
	s7 =	simm.s32 @!p0 $0x108  }
0x21: {  	s3 =	sadd.s32 s3, s9;
	s6 =	sadd.s32 @!p0 $0x88, s6;
	s7 =	simm.s32 @p2 $0x1082  }
0x22: {  	[simem:s7], [sflag:s8] =	dma.local @!p0 [hbm:s6], $0xF7A  }
0x23: {  	s9 =	sor.u32 $0xD0000000, s2;
	s6 =	simm.s32 $0x108;
	_ =	swait.ge @!p0 [sflag:s8], $0x0  }
0x24: {  	s3 =	sadd.s32 $0x88, s3;
	s6 =	simm.s32 @!p1 $0x1082;
	[sflag:s4] =	ssyncset.s32 $0xFFFFF086  }
0x25: {  	[simem:s6], [sflag:s4] =	dma.local [hbm:s3], $0xF7A  }
0x26: {  	[smem:$0x3F9F] =	sst s1;
	(tag) =	ssettag s2;
	_ =	strace s9  }
0x27: {  	s1 =	sld [smem:$0x3FAF]  }
0x28: {  	s2 =	sld [smem:$0x3FB0]  }
0x29: {  	s4 =	sld [smem:$0x3FB2]  }
0x2a: {  	p0 =	seq.s32 s5, $0x0;
	s5 =	sld [smem:$0x3FB3]  }
0x2b: {  	s6 =	sld [smem:$0x3FB4]  }
0x2c: {  	s7 =	sld [smem:$0x3FB5]  }
0x2d: {  	s3 =	simm.s32 $0x108;
	s8 =	sld [smem:$0x3FB6]  }
0x2e: {  	s3 =	simm.s32 @!p0 $0x1082;
	s9 =	sld [smem:$0x3FB7]  }
0x2f: {  	lr =	sadd.s32 s0, s3;
	s0 =	sld [smem:$0x3FAE]  }
0x30: {  	s3 =	sld [smem:$0x3FB1]  }
0x31: {  	[smem:$0x3FBA] =	sst s10  }
0x32: {  	s10 =	sld [smem:$0x3FB8];
	_ =	sdelay $0x3  }
0x33: {  	p0 =	seq.s32 s10, $0x1;
	s10 =	sld [smem:$0x3FBA];
	_ =	sdelay $0x3  }
0x34: {  	[smem:$0x3FBA] =	sst s10  }
0x35: {  	s10 =	sld [smem:$0x3FB9];
	_ =	sdelay $0x3  }
0x36: {  	p1 =	seq.s32 s10, $0x1;
	s10 =	sld [smem:$0x3FBA];
	_ =	sdelay $0x3  }
0x37: {  	[smem:$0x3FBA] =	sst s10  }
0x38: {  	s10 =	sld [smem:$0x3FBB]  }
0x39: {  	_ = 	snop;
	(pc) =	sbr.ind lr, $3  }
0x3a: {  	_ = 	snop  }
0x3b: {  	_ = 	snop  }
0x3c: {  	p2 =	seq.s32 s10, $0x1;
	s10 =	sld [smem:$0x3FBA]  }
0x3d: {  	_ =	shalt  }
0x3e: {  	_ =	shalt  }
0x3f: {  	_ =	shalt  }
0x40: {  	_ =	shalt  }
0x41: {  	_ =	shalt  }
0x42: {  	_ =	shalt  }
0x43: {  	_ =	shalt  }
0x44: {  	_ =	shalt  }
0x45: {  	_ =	shalt  }
0x46: {  	_ =	shalt  }
0x47: {  	_ =	shalt  }
0x48: {  	_ =	shalt  }
0x49: {  	_ =	shalt  }
0x4a: {  	_ =	shalt  }
0x4b: {  	_ =	shalt  }
0x4c: {  	_ =	shalt  }
0x4d: {  	_ =	shalt  }
0x4e: {  	_ =	shalt  }
0x4f: {  	_ =	shalt  }
0x50: {  	_ =	shalt  }
0x51: {  	_ =	shalt  }
0x52: {  	_ =	shalt  }
0x53: {  	_ =	shalt  }
0x54: {  	_ =	shalt  }
0x55: {  	_ =	shalt  }
0x56: {  	_ =	shalt  }
0x57: {  	_ =	shalt  }
0x58: {  	_ =	shalt  }
0x59: {  	_ =	shalt  }
0x5a: {  	_ =	shalt  }
0x5b: {  	_ =	shalt  }
0x5c: {  	_ =	shalt  }
0x5d: {  	_ =	shalt  }
0x5e: {  	_ =	shalt  }
0x5f: {  	_ =	shalt  }
0x60: {  	_ =	shalt  }
0x61: {  	_ =	shalt  }
0x62: {  	_ =	shalt  }
0x63: {  	_ =	shalt  }
0x64: {  	_ =	shalt  }
0x65: {  	_ =	shalt  }
0x66: {  	_ =	shalt  }
0x67: {  	_ =	shalt  }
0x68: {  	_ =	shalt  }
0x69: {  	_ =	shalt  }
0x6a: {  	_ =	shalt  }
0x6b: {  	_ =	shalt  }
0x6c: {  	_ =	shalt  }
0x6d: {  	_ =	shalt  }
0x6e: {  	_ =	shalt  }
0x6f: {  	_ =	shalt  }
0x70: {  	_ =	shalt  }
0x71: {  	_ =	shalt  }
0x72: {  	_ =	shalt  }
0x73: {  	_ =	shalt  }
0x74: {  	_ =	shalt  }
0x75: {  	_ =	shalt  }
0x76: {  	_ =	shalt  }
0x77: {  	_ =	shalt  }
0x78: {  	_ =	shalt  }
0x79: {  	_ =	shalt  }
0x7a: {  	_ =	shalt  }
0x7b: {  	_ =	shalt  }
0x7c: {  	_ =	shalt  }
0x7d: {  	_ =	shalt  }
0x7e: {  	_ =	shalt  }
0x7f: {  	_ =	shalt  }
0x80: {  	_ =	shalt  }
0x81: {  	_ =	shalt  }
0x82: {  	_ =	shalt  }
0x83: {  	_ =	shalt  }
0x84: {  	_ =	shalt  }
0x85: {  	_ =	shalt  }
0x86: {  	_ =	shalt  }
0x87: {  	_ =	shalt  }
.Lfunc_end0:
.L_simem_size_0:
called_computation_lowered:
.L_overlay_start_0:
0x88: {  	s2 =	sld [smem:$0x3FD9]  }
0x89: {  	s3 =	sld [smem:$0x3FFE];
	_ =	sdelay $0x1  }
0x8a: {  	s1 =	srdreg.scid  }
0x8b: {  	s0 =	sand.u32 $0x1, s1  }
0x8c: {  	s17 =	sshll.u32 s0, $0xA;
	s2 =	sadd.s32 s3, s2  }
0x8d: {  	s2 =	sadd.s32 s2, s17  }
0x8e: {  	[smem:$0x3FC6] =	sst s2  }
0x8f: {  	_ = 	snop  }
0x90: {  	s2 =	sld [smem:$0x3FC8]  }
0x91: {  	s18 =	sld [smem:$0x3FD0];
	(tm) =	ssettm $0x1  }
0x92: {  	s4 =	sld [smem:$0x3FFB];
	_ =	sdelay $0x3  }
0x93: {  	_ =	strace s4  }
0x94: {  	s4 =	sld [smem:$0x3FFC];
	_ =	sdelay $0x3  }
0x95: {  	_ =	strace s4  }
0x96: {  	s4 =	sld [smem:$0x3FFD];
	_ =	sdelay $0x3  }
0x97: {  	_ =	strace s4  }
0x98: {  	_ =	strace $0x8FFFFFFF  }
0x99: {  	s19 =	sld [smem:$0x3FDB];
	_ =	sdelay $0x1  }
0x9a: {  	s5 =	simm.s32 $_scs_section_size  }
0x9b: {  	s6 =	simm.s32 $_size__tile_overlayer_lowered;
	s7 =	simm.s32 $_tile_overlayer_lowered  }
0x9c: {  	s22 =	simm.s32 $0x1BFF;
	s21 =	sshll.u32 s7, $0x1;
	s4 =	sadd.s32 s5, s19  }
0x9d: {  	s8 =	simm.s32 $0x0;
	s20 =	sshll.u32 s6, $0x1;
	s6 =	sadd.s32 s21, s4  }
0x9e: {  	[timem:s8], [sflag:s22] =	dma.local [hbm:s6], s20  }
0x9f: {  	_ =	swait.ge [sflag:s22], s20  }
0xa0: {  	s5 =	ssub.s32 $0x0, s20;
	[sflag:s22] =	ssyncset.done $0x0  }
0xa1: {  	[sflag:s22] =	ssyncadd.s32 s5;
	_ =	sdelay $0x1  }
0xa2: {  	s23 =	simm.s32 $0x1B8B  }
0xa3: {  	_ =	swait.ge [sflag:s23], $0x1  }
0xa4: {  	[sflag:s23] =	ssyncset.done $0x0  }
0xa5: {  	s25 =	simm.s32 $0x1B8E;
	s24 =	sld [smem:$0x3FFE];
	[sflag:s23] =	ssyncadd.s32 $0xFFFFFFFF  }
0xa6: {  	s26 =	simm.s32 $execute0_lowered;
	[smem:$0x3FD2] =	sst s25  }
0xa7: {  	s6 =	sshll.u32 s26, $0x1;
	_ =	strace $0x80000046;
	[dreg:$0x1] =	wrdreg $0xFFFFFFFF  }
0xa8: {  	s28 =	simm.s32 $_size_execute0_lowered;
	s4 =	sadd.s32 s4, s6;
	[dreg:$0x0] =	wrdreg $0x0  }
0xa9: {  	s6 =	sshll.u32 s28, $0x1;
	[dreg:$0x2] =	wrdreg s4  }
0xaa: {  	[dreg:$0x3] =	wrdreg s6  }
0xab: {  	[dreg:$0x4] =	wrdreg $0xC0  }
0xac: {  	_ =	task [dreg:s8], $0x5FFFF  }
0xad: {  	[dreg:$0x1] =	wrdreg $0xFFFFFFFF  }
0xae: {  	[dreg:$0x0] =	wrdreg $0x60  }
0xaf: {  	[dreg:$0x2] =	wrdreg s18  }
0xb0: {  	[dreg:$0x3] =	wrdreg s2  }
0xb1: {  	[dreg:$0x4] =	wrdreg s24  }
0xb2: {  	[dreg:$0x5] =	wrdreg $0x105000  }
0xb3: {  	[dreg:$0x6] =	wrdreg $0x9  }
0xb4: {  	_ =	task.clear_ibuf [dreg:s8], $0x7FFFF;
	_ =	strace $0x90000046  }
0xb5: {  	s29 =	simm.s32 $0x9;
	_ =	strace $0x80000048  }
0xb6: {  	_ =	swait.ge [sflag:s29], $0x1  }
0xb7: {  	[sflag:s29] =	ssyncadd.s32 $0xFFFFFFFF  }
0xb8: {  	_ =	strace $0x90000048  }
0xb9: {  	_ =	sfence  }
0xba: {  	s30 =	sld [smem:$0x0];
	_ =	sdelay $0x2  }
0xbb: {  	s31 =	sshll.u32 s1, $0xD;
	s1 =	sshrl.u32 s1, $0x2  }
0xbc: {  	s3 =	sand.u32 $0x4000, s31;
	s1 =	sadd.s32 s1, s30  }
0xbd: {  	s0 =	sor.u32 s3, s0;
	s1 =	sshll.u32 s1, $0x11  }
0xbe: {  	s0 =	sor.u32 s1, s0  }
0xbf: {  	s0 =	sadd.s32 $0x8F2B, s0  }
0xc0: {  	[sflag:s0] =	ssyncadd.remote.s32 $0x1  }
0xc1: {  	_ =	sfence.sel $0xFFFF  }
0xc2: {  	[dreg:$0x0] =	wrdreg $0xFFFFFFFF;
	(pc) =	sbr.abs _section_cstart, $3  }
0xc3: {  	[dreg:$0x1] =	wrdreg $0xFFFFFFFF  }
0xc4: {  	_ =	task.clear_ibuf [dreg:s8], $0x2FFFF;
	_ =	strace $0x9FFFFFFF  }
0xc5: {  	(tm) =	ssettm $0x7FFFFFFF  }
tec
execute0_lowered:
.L_overlay_start_1:
0x0: {  	(tag) =	ssettag $0x1  }
0x1: {  	s1 =	rddreg [dreg:$0x1]  }
0x2: {  	s0 =	rddreg [dreg:$0x2];
	s2 =	srdreg.scid  }
0x3: {  	s7 =	stileid.u32;
	s3 =	rddreg [dreg:$0x3];
	s4 =	simm.s32 $0x0  }
0x4: {  	s15 =	simm.s32 $0x200;
	s16 =	simm.s32 $0x1;
	s17 =	simm.s32 $0x80  }
0x5: {  	v0 =	vlaneseq.u32;
	s18 =	simm.s32 $0x400;
	s19 =	simm.s32 $0x500;
	s20 =	simm.s32 $0x3  }
0x6: {  	s21 =	simm.s32 $0x2;
	s22 =	simm.s32 $0x480;
	s23 =	simm.s32 $0x8500;
	v0 =	vmul.u32 $0x4, v0  }
0x7: {  	s24 =	simm.s32 $0x4;
	s25 =	simm.s32 $0x5;
	s26 =	simm.s32 $0x6  }
0x8: {  	s28 =	simm.s32 $0x0;
	s2 =	sand.u32 $0x1, s2;
	s10 =	smul.u32 $0xC80000, s7;
	v1 =	vor.u32 $0x1, v0  }
0x9: {  	s5 =	sshll.u32 s7, $0x1;
	[smem:$0x7FF] =	sst s4;
	s11 =	smul.u32 $0x32000, s7;
	v2 =	vor.u32 $0x2, v0;
	v3 =	vor.u32 $0x3, v0;
	v4 =	vor.u32 $0x40, v0  }
0xa: {  	p0 =	sne.s32 s7, $0x0;
	s8 =	sor.u32 s2, s5;
	s13 =	smul.u32 $0x19000, s2;
	v5 =	vor.u32 $0x41, v0;
	v6 =	vor.u32 $0x42, v0;
	v7 =	vor.u32 $0x43, v0  }
0xb: {  	_ =	strace $0x80000047;
	s29 =	ssub.s32 $0x2, s2;
	s2 =	smul.u32 $0x640000, s2;
	v8 =	vor.u32 $0x80, v0;
	v9 =	vor.u32 $0x81, v0;
	v10 =	vor.u32 $0x82, v0  }
0xc: {  	s5 =	sadd.s32 $0x400, s0;
	s9 =	smul.u32 $0x19000, s8;
	s6 =	sshrl.u32 s29, $0x1;
	v11 =	vor.u32 $0x83, v0;
	v12 =	vor.u32 $0xC0, v0;
	v13 =	vor.u32 $0xC1, v0  }
0xd: {  	s14 =	sshrl.u32 @!p0 s3, $0x3;
	s8 =	smul.u32 $0x640000, s8;
	v14 =	vor.u32 $0xC2, v0;
	v15 =	vor.u32 $0xC3, v0;
	v16 =	vor.u32 $0x100, v0;
	s0 =	ssub.s32 s29, s6  }
.Ltmp0:
0xe: {  	v17 =	vor.u32 $0x101, v0;
	v18 =	vor.u32 $0x102, v0;
	v19 =	vor.u32 $0x103, v0;
	s11 =	sadd.s32 s13, s11;
	s12 =	sshrl.u32 s9, $0x3;
	(pc) =	sbr.rel .LBB2_1-.Ltmp0, $4  }
0xf: {  	v20 =	vor.u32 $0x140, v0;
	v21 =	vor.u32 $0x141, v0;
	v22 =	vor.u32 $0x142, v0;
	s2 =	sadd.s32 s2, s10;
	s9 =	sadd.s32 $0x18E00, s9;
	s6 =	sadd.s32 s1, s12  }
0x10: {  	v23 =	vor.u32 $0x143, v0;
	v24 =	vor.u32 $0x180, v0;
	v25 =	vor.u32 $0x181, v0;
	s30 =	sor.u32 $0x400, s11;
	s10 =	smax.u32 s0, $0x1;
	s12 =	sadd.s32 $0x40, s6  }
0x11: {  	v26 =	vor.u32 $0x182, v0;
	v27 =	vor.u32 $0x183, v0;
	v28 =	vor.u32 $0x1C0, v0;
	s31 =	sshrl.u32 s2, $0x3;
	[dreg:$0x5] =	wrdreg s12;
	s12 =	sshrl.u32 s30, $0x3  }
0x12: {  	v29 =	vor.u32 $0x1C1, v0;
	v30 =	vor.u32 $0x1C2, v0;
	v31 =	vor.u32 $0x1C3, v0;
	s0 =	sor.u32 $0x200, s11;
	s2 =	sadd.s32 s31, s5;
	s12 =	sadd.s32 s12, s1  }
.LBB2_6:
0x13: {  	s28 =	sadd.s32 $0x1, s28  }
0x14: {  	_ =	swait.ge [sflag:s25], $0x8000;
	p1 =	sne.s32 s28, s10  }
.Ltmp1:
0x15: {  	[sflag:s25] =	ssyncset.done $0x0;
	(pc) =	sbr.rel @!p1 .LBB2_7-.Ltmp1, $4  }
0x16: {  	[sflag:s25] =	ssyncadd.s32 $0xFFFF8000  }
0x17: {  	_ =	swait.ge [sflag:s26], $0x8000  }
0x18: {  	[sflag:s26] =	ssyncset.done $0x0  }
0x19: {  	[sflag:s26] =	ssyncadd.s32 $0xFFFF8000  }
.LBB2_1:
0x1a: {  	s7 =	simm.s32 @!p0 $0x1C07;
	s11 =	rddreg [dreg:$0x0]  }
0x1b: {  	[spmem:s14], [sflag:s7] =	dma.local @!p0 [hbm:s11], $0x4E20  }
0x1c: {  	s7 =	simm.s32 @!p0 $0x7  }
0x1d: {  	_ =	swait.ge @!p0 [sflag:s7], $0x4E20  }
0x1e: {  	[sflag:s7] =	ssyncset.done @!p0 $0x0  }
0x1f: {  	[sflag:s7] =	ssyncadd.s32 @!p0 $0xFFFFB1E0  }
0x20: {  	s13 =	smov.u32 s0;
	s31 =	smov.u32 s12;
	[bflag:$0x0] =	sbarrier.arrive $0xFFFF  }
0x21: {  	[tilespmem:s4], [sflag:$0x1] =	stream.linear.gather [hbm4b:s6+s4], $0x200, $0x38;
	[tilespmem:$0x12C10] =	vst v63  }
0x22: {  	s11 =	smov.u32 s2;
	s7 =	simm.s32 $0x1;
	s30 =	rddreg [dreg:$0x5]  }
0x23: {  	[tilespmem:s15], [sflag:$0x2] =	stream.linear.gather [hbm4b:s30+s4], $0x200, $0x38;
	[tilespmem:$0x12C10] =	vst v63  }
.LBB2_2:
0x24: {  	p1 =	seq.s32 s7, $0x1  }
0x25: {  	s29 =	simm.s32 @!p1 $0x5  }
0x26: {  	_ =	swait.ge @!p1 [sflag:s29], $0x8000  }
0x27: {  	[sflag:s29] =	ssyncset.done @!p1 $0x0  }
0x28: {  	[sflag:s29] =	ssyncadd.s32 @!p1 $0xFFFF8000  }
0x29: {  	_ =	swait.ge [sflag:s16], $0x200  }
0x2a: {  	[sflag:s16] =	ssyncset.done $0x0  }
0x2b: {  	[sflag:s16] =	ssyncadd.s32 $0xFFFFFE00  }
0x2c: {  	v32 =	vld.idx.msk [tilespmem:v0+s4+$0x0], $0xffff;
	_ =	sdelay $0x1  }
0x2d: {  	v33 =	vld.idx.msk [tilespmem:v1+s4+$0x0], $0xffff;
	_ =	sdelay $0x2  }
0x2e: {  	v34 =	vld.idx.msk [tilespmem:v2+s4+$0x0], $0xffff;
	v32 =	vmul.u32 $0x5, v32;
	_ =	sdelay $0x1  }
0x2f: {  	v32 =	vadd.s32 v33, v32  }
0x30: {  	v42 =	vld.idx.msk [tilespmem:v3+s4+$0x0], $0xffff;
	v32 =	vmul.u32 $0x5, v32;
	_ =	sdelay $0x1  }
0x31: {  	v32 =	vadd.s32 v34, v32  }
0x32: {  	v32 =	vmul.u32 $0x5, v32;
	_ =	sdelay $0x1  }
0x33: {  	v32 =	vadd.s32 v42, v32  }
0x34: {  	[tilespmem:$0x400] =	vst v32  }
0x35: {  	v32 =	vld.idx.msk [tilespmem:v4+s4+$0x0], $0xffff;
	_ =	sdelay $0x1  }
0x36: {  	v43 =	vld.idx.msk [tilespmem:v5+s4+$0x0], $0xffff;
	_ =	sdelay $0x2  }
0x37: {  	v44 =	vld.idx.msk [tilespmem:v6+s4+$0x0], $0xffff;
	v32 =	vmul.u32 $0x5, v32;
	_ =	sdelay $0x1  }
0x38: {  	v32 =	vadd.s32 v43, v32  }
0x39: {  	v45 =	vld.idx.msk [tilespmem:v7+s4+$0x0], $0xffff;
	v32 =	vmul.u32 $0x5, v32;
	_ =	sdelay $0x1  }
0x3a: {  	v32 =	vadd.s32 v44, v32  }
0x3b: {  	v32 =	vmul.u32 $0x5, v32;
	_ =	sdelay $0x1  }
0x3c: {  	v32 =	vadd.s32 v45, v32  }
0x3d: {  	[tilespmem:$0x410] =	vst v32  }
0x3e: {  	v32 =	vld.idx.msk [tilespmem:v8+s4+$0x0], $0xffff;
	_ =	sdelay $0x1  }
0x3f: {  	v46 =	vld.idx.msk [tilespmem:v9+s4+$0x0], $0xffff;
	_ =	sdelay $0x2  }
0x40: {  	v47 =	vld.idx.msk [tilespmem:v10+s4+$0x0], $0xffff;
	v32 =	vmul.u32 $0x5, v32;
	_ =	sdelay $0x1  }
0x41: {  	v32 =	vadd.s32 v46, v32  }
0x42: {  	v48 =	vld.idx.msk [tilespmem:v11+s4+$0x0], $0xffff;
	v32 =	vmul.u32 $0x5, v32;
	_ =	sdelay $0x1  }
0x43: {  	v32 =	vadd.s32 v47, v32  }
0x44: {  	v32 =	vmul.u32 $0x5, v32;
	_ =	sdelay $0x1  }
0x45: {  	v32 =	vadd.s32 v48, v32  }
0x46: {  	[tilespmem:$0x420] =	vst v32  }
0x47: {  	v32 =	vld.idx.msk [tilespmem:v12+s4+$0x0], $0xffff;
	_ =	sdelay $0x1  }
0x48: {  	v49 =	vld.idx.msk [tilespmem:v13+s4+$0x0], $0xffff;
	_ =	sdelay $0x2  }
0x49: {  	v50 =	vld.idx.msk [tilespmem:v14+s4+$0x0], $0xffff;
	v32 =	vmul.u32 $0x5, v32;
	_ =	sdelay $0x1  }
0x4a: {  	v32 =	vadd.s32 v49, v32  }
0x4b: {  	v51 =	vld.idx.msk [tilespmem:v15+s4+$0x0], $0xffff;
	v32 =	vmul.u32 $0x5, v32;
	_ =	sdelay $0x1  }
0x4c: {  	v32 =	vadd.s32 v50, v32  }
0x4d: {  	v32 =	vmul.u32 $0x5, v32;
	_ =	sdelay $0x1  }
0x4e: {  	v32 =	vadd.s32 v51, v32  }
0x4f: {  	[tilespmem:$0x430] =	vst v32  }
0x50: {  	v32 =	vld.idx.msk [tilespmem:v16+s4+$0x0], $0xffff;
	_ =	sdelay $0x1  }
0x51: {  	v52 =	vld.idx.msk [tilespmem:v17+s4+$0x0], $0xffff;
	_ =	sdelay $0x2  }
0x52: {  	v53 =	vld.idx.msk [tilespmem:v18+s4+$0x0], $0xffff;
	v32 =	vmul.u32 $0x5, v32;
	_ =	sdelay $0x1  }
0x53: {  	v32 =	vadd.s32 v52, v32  }
0x54: {  	v54 =	vld.idx.msk [tilespmem:v19+s4+$0x0], $0xffff;
	v32 =	vmul.u32 $0x5, v32;
	_ =	sdelay $0x1  }
0x55: {  	v32 =	vadd.s32 v53, v32  }
0x56: {  	v32 =	vmul.u32 $0x5, v32;
	_ =	sdelay $0x1  }
0x57: {  	v32 =	vadd.s32 v54, v32  }
0x58: {  	[tilespmem:$0x440] =	vst v32  }
0x59: {  	v32 =	vld.idx.msk [tilespmem:v20+s4+$0x0], $0xffff;
	_ =	sdelay $0x1  }
0x5a: {  	v55 =	vld.idx.msk [tilespmem:v21+s4+$0x0], $0xffff;
	_ =	sdelay $0x2  }
0x5b: {  	v56 =	vld.idx.msk [tilespmem:v22+s4+$0x0], $0xffff;
	v32 =	vmul.u32 $0x5, v32;
	_ =	sdelay $0x1  }
0x5c: {  	v32 =	vadd.s32 v55, v32  }
0x5d: {  	v57 =	vld.idx.msk [tilespmem:v23+s4+$0x0], $0xffff;
	v32 =	vmul.u32 $0x5, v32;
	_ =	sdelay $0x1  }
0x5e: {  	v32 =	vadd.s32 v56, v32  }
0x5f: {  	v32 =	vmul.u32 $0x5, v32;
	_ =	sdelay $0x1  }
0x60: {  	v32 =	vadd.s32 v57, v32  }
0x61: {  	[tilespmem:$0x450] =	vst v32  }
0x62: {  	v32 =	vld.idx.msk [tilespmem:v24+s4+$0x0], $0xffff;
	_ =	sdelay $0x1  }
0x63: {  	v58 =	vld.idx.msk [tilespmem:v25+s4+$0x0], $0xffff;
	_ =	sdelay $0x2  }
0x64: {  	v59 =	vld.idx.msk [tilespmem:v26+s4+$0x0], $0xffff;
	v32 =	vmul.u32 $0x5, v32;
	_ =	sdelay $0x1  }
0x65: {  	v32 =	vadd.s32 v58, v32  }
0x66: {  	v60 =	vld.idx.msk [tilespmem:v27+s4+$0x0], $0xffff;
	v32 =	vmul.u32 $0x5, v32;
	_ =	sdelay $0x1  }
0x67: {  	v32 =	vadd.s32 v59, v32  }
0x68: {  	v32 =	vmul.u32 $0x5, v32;
	_ =	sdelay $0x1  }
0x69: {  	v32 =	vadd.s32 v60, v32  }
0x6a: {  	[tilespmem:$0x460] =	vst v32  }
0x6b: {  	v32 =	vld.idx.msk [tilespmem:v28+s4+$0x0], $0xffff;
	_ =	sdelay $0x1  }
0x6c: {  	v61 =	vld.idx.msk [tilespmem:v29+s4+$0x0], $0xffff;
	_ =	sdelay $0x2  }
0x6d: {  	v62 =	vld.idx.msk [tilespmem:v30+s4+$0x0], $0xffff;
	v32 =	vmul.u32 $0x5, v32;
	_ =	sdelay $0x1  }
0x6e: {  	v32 =	vadd.s32 v61, v32  }
0x6f: {  	v63 =	vld.idx.msk [tilespmem:v31+s4+$0x0], $0xffff;
	v32 =	vmul.u32 $0x5, v32;
	_ =	sdelay $0x1  }
0x70: {  	v32 =	vadd.s32 v62, v32  }
0x71: {  	v32 =	vmul.u32 $0x5, v32;
	_ =	sdelay $0x1  }
0x72: {  	v32 =	vadd.s32 v63, v32  }
0x73: {  	p1 =	seq.s32 s7, $0xC7;
	[tilespmem:$0x470] =	vst v32  }
0x74: {  	[tilespmem:s19], [sflag:$0x3] =	stream.indirect.gather [spmem:s3], $0x100, s18, s17, $0xb8;
	[tilespmem:$0x12C10] =	vst v63  }
0x75: {  	p2 =	seq.s32 @!p1 s7, $0x1;
	_ =	swait.ge [sflag:s20], $0x8000  }
0x76: {  	p2 =	por p1, !p2;
	[sflag:s20] =	ssyncset.done $0x0  }
.Ltmp2:
0x77: {  	[sflag:s20] =	ssyncadd.s32 $0xFFFF8000;
	(pc) =	sbr.rel @!p2 .LBB2_4-.Ltmp2, $4  }
0x78: {  	[hbm4b:s11+s4] =	stream.linear.scatter [tilespmem:s19], [sflag:$0x5], $0x8000, $0x38;
	[tilespmem:$0x12C10] =	vst v63  }
0x79: {  	s29 =	simm.s32 @!p1 $0x0  }
0x7a: {  	[tilespmem:s29], [sflag:$0x1] =	stream.linear.gather @!p1 [hbm4b:s31+s29], $0x200, $0x38;
	[tilespmem:$0x12C10] =	vst v63  }
0x7b: {  	s30 =	smov.u32 s7;
	s29 =	smov.u32 s13  }
0x7c: {  	_ =	swait.ge [sflag:s26], $0x8000  }
0x7d: {  	s29 =	smov.u32 s13;
	s30 =	smov.u32 s7;
	[sflag:s26] =	ssyncset.done $0x0  }
0x7e: {  	s29 =	smov.u32 @p1 s9;
	s30 =	simm.s32 @p1 $0xC7;
	[sflag:s26] =	ssyncadd.s32 $0xFFFF8000  }
.LBB2_4:
0x7f: {  	_ = 	snop  }
0x80: {  	_ =	swait.ge [sflag:s21], $0x200  }
0x81: {  	[sflag:s21] =	ssyncset.done $0x0  }
0x82: {  	[sflag:s21] =	ssyncadd.s32 $0xFFFFFE00  }
0x83: {  	v32 =	vld.idx.msk [tilespmem:v0+s15+$0x0], $0xffff;
	_ =	sdelay $0x1  }
0x84: {  	v33 =	vld.idx.msk [tilespmem:v1+s15+$0x0], $0xffff;
	_ =	sdelay $0x2  }
0x85: {  	v34 =	vld.idx.msk [tilespmem:v2+s15+$0x0], $0xffff;
	v32 =	vmul.u32 $0x5, v32;
	_ =	sdelay $0x1  }
0x86: {  	v32 =	vadd.s32 v33, v32  }
0x87: {  	v42 =	vld.idx.msk [tilespmem:v3+s15+$0x0], $0xffff;
	v32 =	vmul.u32 $0x5, v32;
	_ =	sdelay $0x1  }
0x88: {  	v32 =	vadd.s32 v34, v32  }
0x89: {  	v32 =	vmul.u32 $0x5, v32;
	_ =	sdelay $0x1  }
0x8a: {  	v32 =	vadd.s32 v42, v32  }
0x8b: {  	[tilespmem:$0x480] =	vst v32  }
0x8c: {  	v32 =	vld.idx.msk [tilespmem:v4+s15+$0x0], $0xffff;
	_ =	sdelay $0x1  }
0x8d: {  	v43 =	vld.idx.msk [tilespmem:v5+s15+$0x0], $0xffff;
	_ =	sdelay $0x2  }
0x8e: {  	v44 =	vld.idx.msk [tilespmem:v6+s15+$0x0], $0xffff;
	v32 =	vmul.u32 $0x5, v32;
	_ =	sdelay $0x1  }
0x8f: {  	v32 =	vadd.s32 v43, v32  }
0x90: {  	v45 =	vld.idx.msk [tilespmem:v7+s15+$0x0], $0xffff;
	v32 =	vmul.u32 $0x5, v32;
	_ =	sdelay $0x1  }
0x91: {  	v32 =	vadd.s32 v44, v32  }
0x92: {  	v32 =	vmul.u32 $0x5, v32;
	_ =	sdelay $0x1  }
0x93: {  	v32 =	vadd.s32 v45, v32  }
0x94: {  	[tilespmem:$0x490] =	vst v32  }
0x95: {  	v32 =	vld.idx.msk [tilespmem:v8+s15+$0x0], $0xffff;
	_ =	sdelay $0x1  }
0x96: {  	v46 =	vld.idx.msk [tilespmem:v9+s15+$0x0], $0xffff;
	_ =	sdelay $0x2  }
0x97: {  	v47 =	vld.idx.msk [tilespmem:v10+s15+$0x0], $0xffff;
	v32 =	vmul.u32 $0x5, v32;
	_ =	sdelay $0x1  }
0x98: {  	v32 =	vadd.s32 v46, v32  }
0x99: {  	v48 =	vld.idx.msk [tilespmem:v11+s15+$0x0], $0xffff;
	v32 =	vmul.u32 $0x5, v32;
	_ =	sdelay $0x1  }
0x9a: {  	v32 =	vadd.s32 v47, v32  }
0x9b: {  	v32 =	vmul.u32 $0x5, v32;
	_ =	sdelay $0x1  }
0x9c: {  	v32 =	vadd.s32 v48, v32  }
0x9d: {  	[tilespmem:$0x4A0] =	vst v32  }
0x9e: {  	v32 =	vld.idx.msk [tilespmem:v12+s15+$0x0], $0xffff;
	_ =	sdelay $0x1  }
0x9f: {  	v49 =	vld.idx.msk [tilespmem:v13+s15+$0x0], $0xffff;
	_ =	sdelay $0x2  }
0xa0: {  	v50 =	vld.idx.msk [tilespmem:v14+s15+$0x0], $0xffff;
	v32 =	vmul.u32 $0x5, v32;
	_ =	sdelay $0x1  }
0xa1: {  	v32 =	vadd.s32 v49, v32  }
0xa2: {  	v51 =	vld.idx.msk [tilespmem:v15+s15+$0x0], $0xffff;
	v32 =	vmul.u32 $0x5, v32;
	_ =	sdelay $0x1  }
0xa3: {  	v32 =	vadd.s32 v50, v32  }
0xa4: {  	v32 =	vmul.u32 $0x5, v32;
	_ =	sdelay $0x1  }
0xa5: {  	v32 =	vadd.s32 v51, v32  }
0xa6: {  	[tilespmem:$0x4B0] =	vst v32  }
0xa7: {  	v32 =	vld.idx.msk [tilespmem:v16+s15+$0x0], $0xffff;
	_ =	sdelay $0x1  }
0xa8: {  	v52 =	vld.idx.msk [tilespmem:v17+s15+$0x0], $0xffff;
	_ =	sdelay $0x2  }
0xa9: {  	v53 =	vld.idx.msk [tilespmem:v18+s15+$0x0], $0xffff;
	v32 =	vmul.u32 $0x5, v32;
	_ =	sdelay $0x1  }
0xaa: {  	v32 =	vadd.s32 v52, v32  }
0xab: {  	v54 =	vld.idx.msk [tilespmem:v19+s15+$0x0], $0xffff;
	v32 =	vmul.u32 $0x5, v32;
	_ =	sdelay $0x1  }
0xac: {  	v32 =	vadd.s32 v53, v32  }
0xad: {  	v32 =	vmul.u32 $0x5, v32;
	_ =	sdelay $0x1  }
0xae: {  	v32 =	vadd.s32 v54, v32  }
0xaf: {  	[tilespmem:$0x4C0] =	vst v32  }
0xb0: {  	v32 =	vld.idx.msk [tilespmem:v20+s15+$0x0], $0xffff;
	_ =	sdelay $0x1  }
0xb1: {  	v55 =	vld.idx.msk [tilespmem:v21+s15+$0x0], $0xffff;
	_ =	sdelay $0x2  }
0xb2: {  	v56 =	vld.idx.msk [tilespmem:v22+s15+$0x0], $0xffff;
	v32 =	vmul.u32 $0x5, v32;
	_ =	sdelay $0x1  }
0xb3: {  	v32 =	vadd.s32 v55, v32  }
0xb4: {  	v57 =	vld.idx.msk [tilespmem:v23+s15+$0x0], $0xffff;
	v32 =	vmul.u32 $0x5, v32;
	_ =	sdelay $0x1  }
0xb5: {  	v32 =	vadd.s32 v56, v32  }
0xb6: {  	v32 =	vmul.u32 $0x5, v32;
	_ =	sdelay $0x1  }
0xb7: {  	v32 =	vadd.s32 v57, v32  }
0xb8: {  	[tilespmem:$0x4D0] =	vst v32  }
0xb9: {  	v32 =	vld.idx.msk [tilespmem:v24+s15+$0x0], $0xffff;
	_ =	sdelay $0x1  }
0xba: {  	v58 =	vld.idx.msk [tilespmem:v25+s15+$0x0], $0xffff;
	_ =	sdelay $0x2  }
0xbb: {  	v59 =	vld.idx.msk [tilespmem:v26+s15+$0x0], $0xffff;
	v32 =	vmul.u32 $0x5, v32;
	_ =	sdelay $0x1  }
0xbc: {  	v32 =	vadd.s32 v58, v32  }
0xbd: {  	v60 =	vld.idx.msk [tilespmem:v27+s15+$0x0], $0xffff;
	v32 =	vmul.u32 $0x5, v32;
	_ =	sdelay $0x1  }
0xbe: {  	v32 =	vadd.s32 v59, v32  }
0xbf: {  	v32 =	vmul.u32 $0x5, v32;
	_ =	sdelay $0x1  }
0xc0: {  	v32 =	vadd.s32 v60, v32  }
0xc1: {  	[tilespmem:$0x4E0] =	vst v32  }
0xc2: {  	v32 =	vld.idx.msk [tilespmem:v28+s15+$0x0], $0xffff;
	_ =	sdelay $0x1  }
0xc3: {  	v61 =	vld.idx.msk [tilespmem:v29+s15+$0x0], $0xffff;
	_ =	sdelay $0x2  }
0xc4: {  	v62 =	vld.idx.msk [tilespmem:v30+s15+$0x0], $0xffff;
	v32 =	vmul.u32 $0x5, v32;
	_ =	sdelay $0x1  }
0xc5: {  	v32 =	vadd.s32 v61, v32  }
0xc6: {  	v63 =	vld.idx.msk [tilespmem:v31+s15+$0x0], $0xffff;
	v32 =	vmul.u32 $0x5, v32;
	_ =	sdelay $0x1  }
0xc7: {  	v32 =	vadd.s32 v62, v32  }
0xc8: {  	v32 =	vmul.u32 $0x5, v32;
	_ =	sdelay $0x1  }
0xc9: {  	v32 =	vadd.s32 v63, v32  }
0xca: {  	[tilespmem:$0x4F0] =	vst v32  }
0xcb: {  	[tilespmem:s23], [sflag:$0x4] =	stream.indirect.gather [spmem:s3], $0x100, s22, s17, $0xb8;
	[tilespmem:$0x12C10] =	vst v63  }
.Ltmp3:
0xcc: {  	s30 =	sshll.u32 s30, $0xF;
	(pc) =	sbr.rel @p1 .LBB2_6-.Ltmp3, $4  }
0xcd: {  	s30 =	sadd.s32 s8, s30;
	_ =	swait.ge [sflag:s24], $0x8000  }
0xce: {  	s30 =	sshrl.u32 s30, $0x3;
	[sflag:s24] =	ssyncset.done $0x0  }
0xcf: {  	s30 =	sadd.s32 s5, s30;
	[sflag:s24] =	ssyncadd.s32 $0xFFFF8000  }
0xd0: {  	[hbm4b:s30+s4] =	stream.linear.scatter [tilespmem:s23], [sflag:$0x6], $0x8000, $0x38;
	[tilespmem:$0x12C10] =	vst v63  }
.Ltmp4:
0xd1: {  	(pc) =	sbr.rel .LBB2_2-.Ltmp4, $4  }
0xd2: {  	s29 =	sshrl.u32 s29, $0x3  }
0xd3: {  	s11 =	sadd.s32 $0x2000, s11;
	s31 =	sadd.s32 $0x80, s31;
	s29 =	sadd.s32 s1, s29  }
0xd4: {  	s7 =	sadd.s32 $0x2, s7;
	s13 =	sadd.s32 $0x400, s13;
	s29 =	sadd.s32 $0x80, s29  }
0xd5: {  	[tilespmem:s15], [sflag:$0x2] =	stream.linear.gather [hbm4b:s29+s4], $0x200, $0x38;
	[tilespmem:$0x12C10] =	vst v63  }
.LBB2_7:
0xd6: {  	_ =	sfence.sel $0x180000  }
0xd7: {  	[bflag:$0x0] =	sbarrier.arrive $0xFFFF  }
0xd8: {  	_ =	strace $0x90000047  }
0xd9: {  	[bflag:$0x2] =	sbarrier.arrive $0xFFFF  }
0xda: {  	s0 =	rddreg [dreg:$0x4]  }
0xdb: {  	s0 =	sadd.s32 @!p0 $0x100000, s0  }
0xdc: {  	[sflag:s0] =	ssyncadd.tile.s32 @!p0 $0x1;
	_ =	shalt  }
.Lfunc_end2:
_tile_overlayer_lowered:
.L_overlay_start_2:
0xdd: {  	(tag) =	ssettag $0x2  }
0xde: {  	s0 =	rddreg [dreg:$0x0];
	s2 =	stileid.u32  }
0xdf: {  	s1 =	rddreg [dreg:$0x1];
	p0 =	sne.s32 s2, $0x0  }
0xe0: {  	s3 =	rddreg [dreg:$0x2];
	[bflag:$0x3] =	sbarrier.arrive $0xFFFF;
	s2 =	simm.s32 @!p0 $0x1C07  }
0xe1: {  	[timem:s3], [sflag:s2] =	dma.local @!p0 [hbm:s0], s1  }
0xe2: {  	s0 =	simm.s32 @!p0 $0x7  }
0xe3: {  	_ =	swait.ge @!p0 [sflag:s0], s1  }
0xe4: {  	s1 =	ssub.s32 @!p0 $0x0, s1;
	[sflag:s0] =	ssyncset.done @!p0 $0x0  }
0xe5: {  	[sflag:s0] =	ssyncadd.s32 @!p0 s1  }
0xe6: {  	[bflag:$0x3] =	sbarrier.arrive $0xFFFF  }
0xe7: {  	_ =	shalt  }

</sc_bundles>
